<compile_context>
chip_gen: v7x
topology: tpu7x:2x2x1
jax: 0.10.2.dev20260603
libtpu: 0.0.44.dev20260713+nightly
codegen_flags: <defaults>
</compile_context>

<pallas_src>
import functools

import jax
import jax.numpy as jnp
from jax import lax
from jax.experimental import pallas as pl
from jax.experimental.pallas import tpu as pltpu
from jax.experimental.pallas import tpu_sc as plsc

NC = 2
NS = 16
NW = NC * NS
L = 16
C = 128



def _rel_transform_body(R, nf_ref, w_ref, out_ref):
    nf = nf_ref[...]
    for r in range(R):
        out_ref[r] = jnp.dot(nf, w_ref[r], preferred_element_type=jnp.float32)


def _rel_transform(node_feat, W_rel):
    R, D, _ = W_rel.shape
    N = node_feat.shape[0]
    BN = 1000
    return pl.pallas_call(
        functools.partial(_rel_transform_body, R),
        grid=(N // BN,),
        in_specs=[
            pl.BlockSpec((BN, D), lambda i: (i, 0)),
            pl.BlockSpec((R, D, D), lambda i: (0, 0, 0)),
        ],
        out_specs=pl.BlockSpec((R, BN, D), lambda i: (0, i, 0)),
        out_shape=jax.ShapeDtypeStruct((R, N, D), jnp.float32),
    )(node_feat, W_rel)



def _sc_body(NA, NB, AGG_ROWS, QPT, QPW, D,
             xrel_hbm, idx_hbm, qidx_hbm, nf_hbm,
             ga_hbm, gnf_hbm,
             agg_sh, idx0, idx1, rows0, rows1, qv, qv2,
             semi0, semi1, semg0, semg1, sem):
    cid = lax.axis_index("c")
    sid = lax.axis_index("s")
    wid = sid * NC + cid
    idxb = (idx0, idx1)
    rowsb = (rows0, rows1)
    semib = (semi0, semi1)
    semgb = (semg0, semg1)

    z = jnp.zeros((L,), jnp.float32)
    nseg = D // L

    def zstore(i, _):
        rows0[i // nseg, pl.ds((i % nseg) * L, L)] = z
        return 0

    lax.fori_loop(0, C * nseg, zstore, 0)

    rows_per_tile = AGG_ROWS // NS
    tb = sid * rows_per_tile

    def zcopy(j, _):
        pltpu.sync_copy(rows0, agg_sh.at[pl.ds(tb + j * C, C)])
        return 0

    lax.fori_loop(0, rows_per_tile // C, zcopy, 0)
    plsc.subcore_barrier()

    def edge_pipeline(CH, base):
        def fire_idx(ch, b):
            pltpu.async_copy(idx_hbm.at[base + ch], idxb[b], semib[b])

        def wait_idx(ch, b):
            pltpu.make_async_copy(idx_hbm.at[base + ch], idxb[b],
                                  semib[b]).wait()

        def fire_gather(b):
            pltpu.async_copy(xrel_hbm.at[idxb[b].at[0]], rowsb[b], semgb[b])

        def wait_gather(b):
            pltpu.make_async_copy(xrel_hbm.at[idxb[b].at[0]], rowsb[b],
                                  semgb[b]).wait()

        fire_idx(0, 0)
        if CH > 1:
            fire_idx(1, 1)
        wait_idx(0, 0)
        fire_gather(0)

        def chunk(ch, b):
            nb = 1 - b
            wait_gather(b)

            @pl.when(ch + 1 < CH)
            def _():
                wait_idx(ch + 1, nb)
                fire_gather(nb)

            pltpu.sync_copy(rowsb[b], agg_sh.at[idxb[b].at[1]], add=True)

            @pl.when(ch + 2 < CH)
            def _():
                fire_idx(ch + 2, b)

        def chunk2(g, _):
            chunk(2 * g, 0)
            chunk(2 * g + 1, 1)
            return 0

        lax.fori_loop(0, CH // 2, chunk2, 0)
        if CH % 2:
            chunk(CH - 1, (CH - 1) % 2)

    @pl.when(cid == 0)
    def _():
        edge_pipeline(NA, sid * NA)

    @pl.when(cid == 1)
    def _():
        edge_pipeline(NB, NS * NA + sid * NB)

    plsc.subcore_barrier()

    qb = sid * QPT
    pltpu.sync_copy(qidx_hbm.at[pl.ds(qb, QPT)], qv)
    pltpu.async_copy(agg_sh.at[qv], rows1, sem).wait()
    pltpu.sync_copy(rows1, ga_hbm.at[cid, pl.ds(qb, QPT)])

    qb2 = wid * QPW
    pltpu.sync_copy(qidx_hbm.at[pl.ds(qb2, QPW)], qv2)
    pltpu.async_copy(nf_hbm.at[qv2], rows0.at[pl.ds(0, QPW)], sem).wait()
    pltpu.sync_copy(rows0.at[pl.ds(0, QPW)], gnf_hbm.at[pl.ds(qb2, QPW)])


def _sc_aggregate(x_rel, idx, qidx, node_feat, AGG_ROWS, NA, NB):
    D = node_feat.shape[1]
    Q = qidx.shape[0]
    QPT = Q // NS
    QPW = Q // NW
    mesh = plsc.VectorSubcoreMesh(core_axis_name="c", subcore_axis_name="s",
                                  num_cores=NC, num_subcores=NS)
    body = functools.partial(_sc_body, NA, NB, AGG_ROWS, QPT, QPW, D)
    f = pl.kernel(
        body,
        out_type=[
            jax.ShapeDtypeStruct((NC, Q, D), jnp.float32),
            jax.ShapeDtypeStruct((Q, D), jnp.float32),
        ],
        mesh=mesh,
        scratch_types=[
            pltpu.VMEM_SHARED((AGG_ROWS, D), jnp.float32),
            pltpu.VMEM((2, C), jnp.int32),
            pltpu.VMEM((2, C), jnp.int32),
            pltpu.VMEM((C, D), jnp.float32),
            pltpu.VMEM((C, D), jnp.float32),
            pltpu.VMEM((QPT,), jnp.int32),
            pltpu.VMEM((QPW,), jnp.int32),
            pltpu.SemaphoreType.DMA,
            pltpu.SemaphoreType.DMA,
            pltpu.SemaphoreType.DMA,
            pltpu.SemaphoreType.DMA,
            pltpu.SemaphoreType.DMA,
        ],
    )
    return f(x_rel, idx, qidx, node_feat)



def _head_body(ga_ref, gnf_ref, wr_ref, bg_ref, wf_ref, bf_ref, out_ref):
    D = wr_ref.shape[0]
    Bq = out_ref.shape[0]
    t = (ga_ref[0] + ga_ref[1]
         + jnp.dot(gnf_ref[...], wr_ref[...],
                   preferred_element_type=jnp.float32)
         + bg_ref[...])
    t = jnp.maximum(t, 0.0)
    hid = (jnp.dot(t[:Bq], wf_ref[:D], preferred_element_type=jnp.float32)
           + jnp.dot(t[Bq:], wf_ref[D:], preferred_element_type=jnp.float32)
           + bf_ref[...])
    out_ref[...] = jnp.maximum(hid, 0.0)


def _head(ga, gnf, W_root, b_gnn, W_fc, b_fc):
    B2 = ga.shape[1]
    H = W_fc.shape[1]
    return pl.pallas_call(
        _head_body,
        out_shape=jax.ShapeDtypeStruct((B2 // 2, H), jnp.float32),
    )(ga, gnf, W_root, b_gnn.reshape(1, -1), W_fc, b_fc.reshape(1, -1))



def kernel(x, node_feat, edge_index, edge_type, nest_tensor, food_tensor,
           W_rel, W_root, b_gnn, W_fc, b_fc):
    N, D = node_feat.shape
    R = W_rel.shape[0]
    E = edge_type.shape[0]

    src = edge_index[0].astype(jnp.int32)
    dst = edge_index[1].astype(jnp.int32)
    et = edge_type.astype(jnp.int32)

    x_rel = _rel_transform(node_feat, W_rel).reshape(R * N, D)

    T16 = -(-E // (NS * C))
    NA = max(1, min(T16 - 1, round(T16 * 0.65)))
    NB = T16 - NA
    T = NS * (NA + NB)
    pad = T * C - E
    AGG_ROWS = -(-N // (64 * NS)) * (64 * NS)

    gidx = jnp.concatenate([et * N + src,
                            jnp.zeros((pad,), jnp.int32)]).reshape(T, C)
    didx = jnp.concatenate([dst,
                            jnp.full((pad,), AGG_ROWS - 1, jnp.int32)
                            ]).reshape(T, C)
    idx = jnp.stack([gidx, didx], axis=1)
    qidx = jnp.concatenate([nest_tensor.astype(jnp.int32),
                            food_tensor.astype(jnp.int32)])

    ga, gnf = _sc_aggregate(x_rel, idx, qidx, node_feat, AGG_ROWS, NA, NB)

    return _head(ga, gnf, W_root, b_gnn, W_fc, b_fc)

# --- scband reference (transcript-rebuilt; emitter-appended) ---
"""Pipeline reference for scband-human-sender-76536317215177 (READ-ONLY COPY).

The authoritative reference and input builder live on the scoring server;
editing this copy changes nothing except your own understanding.
"""

import jax, jax.numpy as jnp
import numpy as np

N, E, D, R, H, B = 10000, 320000, 128, 8, 256, 1024

def setup_inputs(seed: int = 0) -> dict:
    key = jax.random.key(seed)
    ks = jax.random.split(key, 11)
    x = jax.random.normal(ks[0], (B, D), dtype=jnp.float32)
    node_feat = jax.random.normal(ks[1], (N, D), dtype=jnp.float32)
    edge_index = jax.random.randint(ks[2], (2, E), 0, N, dtype=jnp.int64)
    edge_type = jax.random.randint(ks[3], (E,), 0, R, dtype=jnp.int64)
    nest_tensor = jax.random.randint(ks[4], (B,), 0, N, dtype=jnp.int64)
    food_tensor = jax.random.randint(ks[5], (B,), 0, N, dtype=jnp.int64)
    s = 1.0 / np.sqrt(D)
    W_rel = jax.random.normal(ks[6], (R, D, D), dtype=jnp.float32) * s
    W_root = jax.random.normal(ks[7], (D, D), dtype=jnp.float32) * s
    b_gnn = jnp.zeros((D,), dtype=jnp.float32)
    W_fc = jax.random.normal(ks[8], (2 * D, H), dtype=jnp.float32) * (1.0 / np.sqrt(2 * D))
    b_fc = jnp.zeros((H,), dtype=jnp.float32)
    return {"x": x, "node_feat": node_feat, "edge_index": edge_index, "edge_type": edge_type,
            "nest_tensor": nest_tensor, "food_tensor": food_tensor,
            "W_rel": W_rel, "W_root": W_root, "b_gnn": b_gnn, "W_fc": W_fc, "b_fc": b_fc}

def reference(x, node_feat, edge_index, edge_type, nest_tensor, food_tensor, W_rel, W_root, b_gnn, W_fc, b_fc):
    # GNN: single relational graph conv layer (RGCN-style)
    src = edge_index[0]
    dst = edge_index[1]
    # per-relation transform of all nodes: [R, N, D]
    x_rel = jnp.einsum('nd,rde->rne', node_feat, W_rel)
    # gather per-edge message: msg_e = W_{rel(e)} x_{src(e)}
    msgs = x_rel[edge_type, src]  # [E, D]
    # scatter-add aggregation by destination node
    agg = jax.ops.segment_sum(msgs, dst, num_segments=node_feat.shape[0])
    h = jax.nn.relu(agg + node_feat @ W_root + b_gnn)  # [N, D]
    # gather nest / food node embeddings
    nest_embed = jnp.take(h, nest_tensor, axis=0)
    food_embed = jnp.take(h, food_tensor, axis=0)
    combined = jnp.concatenate([nest_embed, food_embed], axis=-1)  # [B, 2D]
    hidden = jax.nn.relu(combined @ W_fc + b_fc)  # [B, H]
    return hidden

if __name__ == "__main__":
    import jax
    _d = setup_inputs()
    print(jax.jit(kernel)(*tuple(_d.values())))

</pallas_src>

<mosaic_0001>
#map = affine_map<(d0, d1) -> (0, 0)>
#map1 = affine_map<(d0, d1) -> (0, 0, 0)>
#map2 = affine_map<(d0, d1) -> (0)>
module attributes {stable_mosaic.version = 14 : i64} {
  func.func @_sc_body(%arg0: i32, %arg1: i32, %arg2: memref<80000x128xf32, #tpu.memory_space<hbm>>, %arg3: memref<2512x2x128xi32, #tpu.memory_space<hbm>>, %arg4: memref<2048xi32, #tpu.memory_space<hbm>>, %arg5: memref<10000x128xf32, #tpu.memory_space<hbm>>, %arg6: memref<2x2048x128xf32, #tpu.memory_space<hbm>>, %arg7: memref<2048x128xf32, #tpu.memory_space<hbm>>, %arg8: memref<10240x128xf32, #tpu.memory_space<vmem_shared>>, %arg9: memref<2x128xi32, #tpu.memory_space<vmem>>, %arg10: memref<2x128xi32, #tpu.memory_space<vmem>>, %arg11: memref<128x128xf32, #tpu.memory_space<vmem>>, %arg12: memref<128x128xf32, #tpu.memory_space<vmem>>, %arg13: memref<128xi32, #tpu.memory_space<vmem>>, %arg14: memref<64xi32, #tpu.memory_space<vmem>>, %arg15: memref<!tpu.dma_semaphore, #tpu.memory_space<semaphore_mem>>, %arg16: memref<!tpu.dma_semaphore, #tpu.memory_space<semaphore_mem>>, %arg17: memref<!tpu.dma_semaphore, #tpu.memory_space<semaphore_mem>>, %arg18: memref<!tpu.dma_semaphore, #tpu.memory_space<semaphore_mem>>, %arg19: memref<!tpu.dma_semaphore, #tpu.memory_space<semaphore_mem>>) attributes {dimension_semantics = [#tpu.dimension_semantics<core_parallel>, #tpu.dimension_semantics<subcore_parallel>], iteration_bounds = array<i64: 2, 16>, scalar_prefetch = 0 : i64, scratch_operands = 12 : i64, tpu.core_type = #tpu.core_type<sc_vector_subcore>, window_params = [{transform_indices = #map}, {transform_indices = #map1}, {transform_indices = #map2}, {transform_indices = #map}, {transform_indices = #map1}, {transform_indices = #map}]} {
    %mul3A = arith.constant 2 : i32
    %mul3A_0 = arith.muli %arg1, %mul3A : i32
    %add3A = arith.addi %mul3A_0, %arg0 : i32
    %broadcast_in_dim3A = arith.constant 0.000000e+00 : f32
    %broadcast_in_dim3A_1 = vector.broadcast %broadcast_in_dim3A : f32 to vector<16xf32>
    %scan3A = arith.constant 0 : i32
    %scan3A_2 = arith.constant 0 : i32
    %scan3A_3 = arith.constant 1024 : i32
    %scan3A_4 = arith.addi %scan3A_2, %scan3A_3 : i32
    %scan3A_5 = arith.constant 1 : i32
    %scan3A_6 = scf.for %scan3A_45 = %scan3A_2 to %scan3A_4 step %scan3A_5 iter_args(%scan3A_46 = %scan3A) -> (i32)  : i32 {
      %jit3A = arith.constant 8 : i32
      %div3A = arith.divsi %scan3A_45, %jit3A : i32
      %sign3A = arith.constant 0 : i32
      %sign3A_47 = arith.cmpi sgt, %scan3A_45, %sign3A : i32
      %sign3A_48 = arith.extui %sign3A_47 : i1 to i32
      %sign3A_49 = arith.constant 0 : i32
      %sign3A_50 = arith.cmpi slt, %scan3A_45, %sign3A_49 : i32
      %sign3A_51 = arith.extui %sign3A_50 : i1 to i32
      %sign3A_52 = arith.subi %sign3A_48, %sign3A_51 : i32
      %sign3A_53 = arith.constant 0 : i32
      %sign3A_54 = arith.cmpi sgt, %jit3A, %sign3A_53 : i32
      %sign3A_55 = arith.extui %sign3A_54 : i1 to i32
      %sign3A_56 = arith.constant 0 : i32
      %sign3A_57 = arith.cmpi slt, %jit3A, %sign3A_56 : i32
      %sign3A_58 = arith.extui %sign3A_57 : i1 to i32
      %sign3A_59 = arith.subi %sign3A_55, %sign3A_58 : i32
      %ne3A = arith.cmpi ne, %sign3A_52, %sign3A_59 : i32
      %rem3A = arith.remsi %scan3A_45, %jit3A : i32
      %ne3A_60 = arith.constant 0 : i32
      %ne3A_61 = arith.cmpi ne, %rem3A, %ne3A_60 : i32
      %and3A = arith.andi %ne3A, %ne3A_61 : i1
      %sub3A = arith.constant 1 : i32
      %sub3A_62 = arith.subi %div3A, %sub3A : i32
      %select_n3A = arith.select %and3A, %sub3A_62, %div3A : i32
      %jit3A_63 = arith.constant 8 : i32
      %eq3A_64 = arith.constant 0 : i32
      %eq3A_65 = arith.cmpi eq, %jit3A_63, %eq3A_64 : i32
      %jit3A_66 = arith.constant 1 : i32
      %select_n3A_67 = arith.select %eq3A_65, %jit3A_66, %jit3A_63 : i32
      %rem3A_68 = arith.remsi %scan3A_45, %select_n3A_67 : i32
      %ne3A_69 = arith.constant 0 : i32
      %ne3A_70 = arith.cmpi ne, %rem3A_68, %ne3A_69 : i32
      %lt3A = arith.constant 0 : i32
      %lt3A_71 = arith.cmpi slt, %rem3A_68, %lt3A : i32
      %lt3A_72 = arith.constant 0 : i32
      %lt3A_73 = arith.cmpi slt, %select_n3A_67, %lt3A_72 : i32
      %ne3A_74 = arith.xori %lt3A_71, %lt3A_73 : i1
      %and3A_75 = arith.andi %ne3A_74, %ne3A_70 : i1
      %add3A_76 = arith.addi %rem3A_68, %select_n3A_67 : i32
      %select_n3A_77 = arith.select %and3A_75, %add3A_76, %rem3A_68 : i32
      %mul3A_78 = arith.constant 16 : i32
      %mul3A_79 = arith.muli %select_n3A_77, %mul3A_78 : i32
      %swap3A = arith.index_cast %select_n3A : i32 to index
      %swap3A_80 = arith.index_cast %mul3A_79 : i32 to index
      %swap3A_81 = tpu.vector_load %arg11[%swap3A, %swap3A_80] {strides = array<i32>} : memref<128x128xf32, #tpu.memory_space<vmem>>, vector<1x16xf32>,
      %swap3A_82 = vector.shape_cast %swap3A_81 : vector<1x16xf32> to vector<16xf32>
      %swap3A_83 = vector.shape_cast %broadcast_in_dim3A_1 : vector<16xf32> to vector<1x16xf32>
      tpu.vector_store %arg11[%swap3A, %swap3A_80], %swap3A_83 {strides = array<i32>} : memref<128x128xf32, #tpu.memory_space<vmem>>, vector<1x16xf32>,
      %scan3A_84 = arith.constant 0 : i32
      scf.yield %scan3A_84 : i32
    }
    %scan3A_7 = arith.constant 1024 : i32
    %mul3A_8 = arith.constant 640 : i32
    %mul3A_9 = arith.muli %arg1, %mul3A_8 : i32
    %scan3A_10 = arith.constant 0 : i32
    %scan3A_11 = arith.constant 0 : i32
    %scan3A_12 = arith.constant 5 : i32
    %scan3A_13 = arith.addi %scan3A_11, %scan3A_12 : i32
    %scan3A_14 = arith.constant 1 : i32
    %scan3A_15 = scf.for %scan3A_45 = %scan3A_11 to %scan3A_13 step %scan3A_14 iter_args(%scan3A_46 = %scan3A_10) -> (i32)  : i32 {
      %mul3A_47 = arith.constant 128 : i32
      %mul3A_48 = arith.muli %scan3A_45, %mul3A_47 : i32
      %add3A_49 = arith.addi %mul3A_9, %mul3A_48 : i32
      "tpu.region"() ({
        %run_scoped3A = tpu.sem_alloc : memref<!tpu.dma_semaphore, #tpu.memory_space<semaphore_mem>>
        %dma_start3A_51 = arith.constant 0 : i32
        %dma_start3A_52 = tpu.memref_slice %arg8[%add3A_49, %dma_start3A_51] : memref<10240x128xf32, #tpu.memory_space<vmem_shared>> -> memref<128x128xf32, #tpu.memory_space<vmem_shared>>
        %dma_start3A_53 = arith.constant 0 : i32
        %dma_start3A_54 = tpu.memref_slice %arg8[%add3A_49, %dma_start3A_53] : memref<10240x128xf32, #tpu.memory_space<vmem_shared>> -> memref<128x128xf32, #tpu.memory_space<vmem_shared>>
        tpu.enqueue_dma source(%arg11 : memref<128x128xf32, #tpu.memory_space<vmem>>) target(%dma_start3A_54 : memref<128x128xf32, #tpu.memory_space<vmem_shared>>) target_semaphore(%run_scoped3A : memref<!tpu.dma_semaphore, #tpu.memory_space<semaphore_mem>>)
        %dma_wait3A_55 = arith.constant 0 : i32
        %dma_wait3A_56 = tpu.memref_slice %arg8[%add3A_49, %dma_wait3A_55] : memref<10240x128xf32, #tpu.memory_space<vmem_shared>> -> memref<128x128xf32, #tpu.memory_space<vmem_shared>>
        %dma_wait3A_57 = arith.constant 0 : i32
        %dma_wait3A_58 = tpu.memref_slice %arg8[%add3A_49, %dma_wait3A_57] : memref<10240x128xf32, #tpu.memory_space<vmem_shared>> -> memref<128x128xf32, #tpu.memory_space<vmem_shared>>
        tpu.wait_dma2 semaphore(%run_scoped3A : memref<!tpu.dma_semaphore, #tpu.memory_space<semaphore_mem>>) src(%arg11 : memref<128x128xf32, #tpu.memory_space<vmem>>) dst(%dma_wait3A_58 : memref<128x128xf32, #tpu.memory_space<vmem_shared>>)
        tpu.yield
      }) : () -> ()
      %scan3A_50 = arith.constant 0 : i32
      scf.yield %scan3A_50 : i32
    }
    %scan3A_16 = arith.constant 5 : i32
    %barrier3A = arith.constant 0 : index
    tpu.barrier barrier_id(%barrier3A)
    %eq3A = arith.constant 0 : i32
    %eq3A_17 = arith.cmpi eq, %arg0, %eq3A : i32
    %convert_element_type3A = arith.extui %eq3A_17 : i1 to i32
    %cond3A = arith.constant 0 : i32
    %cond3A_18 = arith.cmpi ne, %convert_element_type3A, %cond3A : i32
    scf.if %cond3A_18 {
      %mul3A_45 = arith.constant 102 : i32
      %mul3A_46 = arith.muli %arg1, %mul3A_45 : i32
      %add3A_47 = arith.constant 0 : i32
      %add3A_48 = arith.addi %mul3A_46, %add3A_47 : i32
      %dma_start3A_49 = arith.constant 0 : i32
      %dma_start3A_50 = arith.constant 0 : i32
      %dma_start3A_51 = tpu.memref_slice %arg3[%add3A_48, %dma_start3A_49, %dma_start3A_50] : memref<2512x2x128xi32, #tpu.memory_space<hbm>> -> memref<1x2x128xi32, #tpu.memory_space<hbm>>
      %dma_start3A_52 = tpu.memref_squeeze %dma_start3A_51 : memref<1x2x128xi32, #tpu.memory_space<hbm>> -> memref<2x128xi32, #tpu.memory_space<hbm>>
      %dma_start3A_53 = arith.constant 0 : i32
      %dma_start3A_54 = arith.constant 0 : i32
      %dma_start3A_55 = tpu.memref_slice %arg3[%add3A_48, %dma_start3A_53, %dma_start3A_54] : memref<2512x2x128xi32, #tpu.memory_space<hbm>> -> memref<1x2x128xi32, #tpu.memory_space<hbm>>
      %dma_start3A_56 = tpu.memref_squeeze %dma_start3A_55 : memref<1x2x128xi32, #tpu.memory_space<hbm>> -> memref<2x128xi32, #tpu.memory_space<hbm>>
      tpu.enqueue_dma source(%dma_start3A_56 : memref<2x128xi32, #tpu.memory_space<hbm>>) target(%arg9 : memref<2x128xi32, #tpu.memory_space<vmem>>) target_semaphore(%arg15 : memref<!tpu.dma_semaphore, #tpu.memory_space<semaphore_mem>>)
      %add3A_57 = arith.constant 1 : i32
      %add3A_58 = arith.addi %mul3A_46, %add3A_57 : i32
      %dma_start3A_59 = arith.constant 0 : i32
      %dma_start3A_60 = arith.constant 0 : i32
      %dma_start3A_61 = tpu.memref_slice %arg3[%add3A_58, %dma_start3A_59, %dma_start3A_60] : memref<2512x2x128xi32, #tpu.memory_space<hbm>> -> memref<1x2x128xi32, #tpu.memory_space<hbm>>
      %dma_start3A_62 = tpu.memref_squeeze %dma_start3A_61 : memref<1x2x128xi32, #tpu.memory_space<hbm>> -> memref<2x128xi32, #tpu.memory_space<hbm>>
      %dma_start3A_63 = arith.constant 0 : i32
      %dma_start3A_64 = arith.constant 0 : i32
      %dma_start3A_65 = tpu.memref_slice %arg3[%add3A_58, %dma_start3A_63, %dma_start3A_64] : memref<2512x2x128xi32, #tpu.memory_space<hbm>> -> memref<1x2x128xi32, #tpu.memory_space<hbm>>
      %dma_start3A_66 = tpu.memref_squeeze %dma_start3A_65 : memref<1x2x128xi32, #tpu.memory_space<hbm>> -> memref<2x128xi32, #tpu.memory_space<hbm>>
      tpu.enqueue_dma source(%dma_start3A_66 : memref<2x128xi32, #tpu.memory_space<hbm>>) target(%arg10 : memref<2x128xi32, #tpu.memory_space<vmem>>) target_semaphore(%arg16 : memref<!tpu.dma_semaphore, #tpu.memory_space<semaphore_mem>>)
      %add3A_67 = arith.constant 0 : i32
      %add3A_68 = arith.addi %mul3A_46, %add3A_67 : i32
      %dma_wait3A_69 = arith.constant 0 : i32
      %dma_wait3A_70 = arith.constant 0 : i32
      %dma_wait3A_71 = tpu.memref_slice %arg3[%add3A_68, %dma_wait3A_69, %dma_wait3A_70] : memref<2512x2x128xi32, #tpu.memory_space<hbm>> -> memref<1x2x128xi32, #tpu.memory_space<hbm>>
      %dma_wait3A_72 = tpu.memref_squeeze %dma_wait3A_71 : memref<1x2x128xi32, #tpu.memory_space<hbm>> -> memref<2x128xi32, #tpu.memory_space<hbm>>
      %dma_wait3A_73 = arith.constant 0 : i32
      %dma_wait3A_74 = arith.constant 0 : i32
      %dma_wait3A_75 = tpu.memref_slice %arg3[%add3A_68, %dma_wait3A_73, %dma_wait3A_74] : memref<2512x2x128xi32, #tpu.memory_space<hbm>> -> memref<1x2x128xi32, #tpu.memory_space<hbm>>
      %dma_wait3A_76 = tpu.memref_squeeze %dma_wait3A_75 : memref<1x2x128xi32, #tpu.memory_space<hbm>> -> memref<2x128xi32, #tpu.memory_space<hbm>>
      tpu.wait_dma2 semaphore(%arg15 : memref<!tpu.dma_semaphore, #tpu.memory_space<semaphore_mem>>) src(%dma_wait3A_76 : memref<2x128xi32, #tpu.memory_space<hbm>>) dst(%arg9 : memref<2x128xi32, #tpu.memory_space<vmem>>)
      %dma_start3A_77 = arith.constant 0 : i32
      %dma_start3A_78 = arith.constant 0 : i32
      %dma_start3A_79 = tpu.memref_slice %arg9[%dma_start3A_77, %dma_start3A_78] : memref<2x128xi32, #tpu.memory_space<vmem>> -> memref<1x128xi32, #tpu.memory_space<vmem>>
      %dma_start3A_80 = tpu.memref_squeeze %dma_start3A_79 : memref<1x128xi32, #tpu.memory_space<vmem>> -> memref<128xi32, #tpu.memory_space<vmem>>
      %dma_start3A_81 = arith.constant 0 : i32
      %dma_start3A_82 = arith.constant 0 : i32
      %dma_start3A_83 = tpu.memref_slice %arg2[%dma_start3A_81, %dma_start3A_82] : memref<80000x128xf32, #tpu.memory_space<hbm>> -> memref<80000x128xf32, #tpu.memory_space<hbm>>
      tpu.enqueue_indirect_dma source(%dma_start3A_83 : memref<80000x128xf32, #tpu.memory_space<hbm>>) target(%arg11 : memref<128x128xf32, #tpu.memory_space<vmem>>) offsets(%dma_start3A_80 : memref<128xi32, #tpu.memory_space<vmem>>) semaphore(%arg17 : memref<!tpu.dma_semaphore, #tpu.memory_space<semaphore_mem>>)
      %scan3A_84 = arith.constant 0 : i32
      %scan3A_85 = arith.constant 0 : i32
      %scan3A_86 = arith.constant 51 : i32
      %scan3A_87 = arith.addi %scan3A_85, %scan3A_86 : i32
      %scan3A_88 = arith.constant 1 : i32
      %scan3A_89 = scf.for %scan3A_91 = %scan3A_85 to %scan3A_87 step %scan3A_88 iter_args(%scan3A_92 = %scan3A_84) -> (i32)  : i32 {
        %mul3A_93 = arith.constant 2 : i32
        %mul3A_94 = arith.muli %mul3A_93, %scan3A_91 : i32
        %dma_wait3A_95 = arith.constant 0 : i32
        %dma_wait3A_96 = arith.constant 0 : i32
        %dma_wait3A_97 = tpu.memref_slice %arg9[%dma_wait3A_95, %dma_wait3A_96] : memref<2x128xi32, #tpu.memory_space<vmem>> -> memref<1x128xi32, #tpu.memory_space<vmem>>
        %dma_wait3A_98 = tpu.memref_squeeze %dma_wait3A_97 : memref<1x128xi32, #tpu.memory_space<vmem>> -> memref<128xi32, #tpu.memory_space<vmem>>
        %dma_wait3A_99 = arith.constant 0 : i32
        %dma_wait3A_100 = arith.constant 0 : i32
        %dma_wait3A_101 = tpu.memref_slice %arg2[%dma_wait3A_99, %dma_wait3A_100] : memref<80000x128xf32, #tpu.memory_space<hbm>> -> memref<80000x128xf32, #tpu.memory_space<hbm>>
        tpu.wait_indirect_dma semaphore(%arg17 : memref<!tpu.dma_semaphore, #tpu.memory_space<semaphore_mem>>) src(%dma_wait3A_101 : memref<80000x128xf32, #tpu.memory_space<hbm>>) dst(%arg11 : memref<128x128xf32, #tpu.memory_space<vmem>>)
        %add3A_102 = arith.constant 1 : i32
        %add3A_103 = arith.addi %mul3A_94, %add3A_102 : i32
        %lt3A = arith.constant 102 : i32
        %lt3A_104 = arith.cmpi slt, %add3A_103, %lt3A : i32
        %convert_element_type3A_105 = arith.extui %lt3A_104 : i1 to i32
        %cond3A_106 = arith.constant 0 : i32
        %cond3A_107 = arith.cmpi ne, %convert_element_type3A_105, %cond3A_106 : i32
        scf.if %cond3A_107 {
          %add3A_142 = arith.constant 1 : i32
          %add3A_143 = arith.addi %mul3A_94, %add3A_142 : i32
          %add3A_144 = arith.addi %mul3A_46, %add3A_143 : i32
          %dma_wait3A_145 = arith.constant 0 : i32
          %dma_wait3A_146 = arith.constant 0 : i32
          %dma_wait3A_147 = tpu.memref_slice %arg3[%add3A_144, %dma_wait3A_145, %dma_wait3A_146] : memref<2512x2x128xi32, #tpu.memory_space<hbm>> -> memref<1x2x128xi32, #tpu.memory_space<hbm>>
          %dma_wait3A_148 = tpu.memref_squeeze %dma_wait3A_147 : memref<1x2x128xi32, #tpu.memory_space<hbm>> -> memref<2x128xi32, #tpu.memory_space<hbm>>
          %dma_wait3A_149 = arith.constant 0 : i32
          %dma_wait3A_150 = arith.constant 0 : i32
          %dma_wait3A_151 = tpu.memref_slice %arg3[%add3A_144, %dma_wait3A_149, %dma_wait3A_150] : memref<2512x2x128xi32, #tpu.memory_space<hbm>> -> memref<1x2x128xi32, #tpu.memory_space<hbm>>
          %dma_wait3A_152 = tpu.memref_squeeze %dma_wait3A_151 : memref<1x2x128xi32, #tpu.memory_space<hbm>> -> memref<2x128xi32, #tpu.memory_space<hbm>>
          tpu.wait_dma2 semaphore(%arg16 : memref<!tpu.dma_semaphore, #tpu.memory_space<semaphore_mem>>) src(%dma_wait3A_152 : memref<2x128xi32, #tpu.memory_space<hbm>>) dst(%arg10 : memref<2x128xi32, #tpu.memory_space<vmem>>)
          %dma_start3A_153 = arith.constant 0 : i32
          %dma_start3A_154 = arith.constant 0 : i32
          %dma_start3A_155 = tpu.memref_slice %arg10[%dma_start3A_153, %dma_start3A_154] : memref<2x128xi32, #tpu.memory_space<vmem>> -> memref<1x128xi32, #tpu.memory_space<vmem>>
          %dma_start3A_156 = tpu.memref_squeeze %dma_start3A_155 : memref<1x128xi32, #tpu.memory_space<vmem>> -> memref<128xi32, #tpu.memory_space<vmem>>
          %dma_start3A_157 = arith.constant 0 : i32
          %dma_start3A_158 = arith.constant 0 : i32
          %dma_start3A_159 = tpu.memref_slice %arg2[%dma_start3A_157, %dma_start3A_158] : memref<80000x128xf32, #tpu.memory_space<hbm>> -> memref<80000x128xf32, #tpu.memory_space<hbm>>
          tpu.enqueue_indirect_dma source(%dma_start3A_159 : memref<80000x128xf32, #tpu.memory_space<hbm>>) target(%arg12 : memref<128x128xf32, #tpu.memory_space<vmem>>) offsets(%dma_start3A_156 : memref<128xi32, #tpu.memory_space<vmem>>) semaphore(%arg18 : memref<!tpu.dma_semaphore, #tpu.memory_space<semaphore_mem>>)
        } else {
        }
        %run_scoped3A = arith.constant 1 : i32
        "tpu.region"() ({
          %run_scoped3A_142 = tpu.sem_alloc : memref<!tpu.dma_semaphore, #tpu.memory_space<semaphore_mem>>
          %dma_start3A_143 = arith.constant 0 : i32
          %dma_start3A_144 = tpu.memref_slice %arg9[%run_scoped3A, %dma_start3A_143] : memref<2x128xi32, #tpu.memory_space<vmem>> -> memref<1x128xi32, #tpu.memory_space<vmem>>
          %dma_start3A_145 = tpu.memref_squeeze %dma_start3A_144 : memref<1x128xi32, #tpu.memory_space<vmem>> -> memref<128xi32, #tpu.memory_space<vmem>>
          %dma_start3A_146 = arith.constant 0 : i32
          %dma_start3A_147 = arith.constant 0 : i32
          %dma_start3A_148 = tpu.memref_slice %arg8[%dma_start3A_146, %dma_start3A_147] : memref<10240x128xf32, #tpu.memory_space<vmem_shared>> -> memref<10240x128xf32, #tpu.memory_space<vmem_shared>>
          tpu.enqueue_indirect_dma source(%arg11 : memref<128x128xf32, #tpu.memory_space<vmem>>) target(%dma_start3A_148 : memref<10240x128xf32, #tpu.memory_space<vmem_shared>>) offsets(%dma_start3A_145 : memref<128xi32, #tpu.memory_space<vmem>>) semaphore(%run_scoped3A_142 : memref<!tpu.dma_semaphore, #tpu.memory_space<semaphore_mem>>) {add = true}
          %dma_wait3A_149 = arith.constant 0 : i32
          %dma_wait3A_150 = tpu.memref_slice %arg9[%run_scoped3A, %dma_wait3A_149] : memref<2x128xi32, #tpu.memory_space<vmem>> -> memref<1x128xi32, #tpu.memory_space<vmem>>
          %dma_wait3A_151 = tpu.memref_squeeze %dma_wait3A_150 : memref<1x128xi32, #tpu.memory_space<vmem>> -> memref<128xi32, #tpu.memory_space<vmem>>
          %dma_wait3A_152 = arith.constant 0 : i32
          %dma_wait3A_153 = arith.constant 0 : i32
          %dma_wait3A_154 = tpu.memref_slice %arg8[%dma_wait3A_152, %dma_wait3A_153] : memref<10240x128xf32, #tpu.memory_space<vmem_shared>> -> memref<10240x128xf32, #tpu.memory_space<vmem_shared>>
          tpu.wait_indirect_dma semaphore(%run_scoped3A_142 : memref<!tpu.dma_semaphore, #tpu.memory_space<semaphore_mem>>) src(%arg11 : memref<128x128xf32, #tpu.memory_space<vmem>>) dst(%dma_wait3A_154 : memref<10240x128xf32, #tpu.memory_space<vmem_shared>>)
          tpu.yield
        }) : () -> ()
        %add3A_108 = arith.constant 2 : i32
        %add3A_109 = arith.addi %mul3A_94, %add3A_108 : i32
        %lt3A_110 = arith.constant 102 : i32
        %lt3A_111 = arith.cmpi slt, %add3A_109, %lt3A_110 : i32
        %convert_element_type3A_112 = arith.extui %lt3A_111 : i1 to i32
        %cond3A_113 = arith.constant 0 : i32
        %cond3A_114 = arith.cmpi ne, %convert_element_type3A_112, %cond3A_113 : i32
        scf.if %cond3A_114 {
          %add3A_142 = arith.constant 2 : i32
          %add3A_143 = arith.addi %mul3A_94, %add3A_142 : i32
          %add3A_144 = arith.addi %mul3A_46, %add3A_143 : i32
          %dma_start3A_145 = arith.constant 0 : i32
          %dma_start3A_146 = arith.constant 0 : i32
          %dma_start3A_147 = tpu.memref_slice %arg3[%add3A_144, %dma_start3A_145, %dma_start3A_146] : memref<2512x2x128xi32, #tpu.memory_space<hbm>> -> memref<1x2x128xi32, #tpu.memory_space<hbm>>
          %dma_start3A_148 = tpu.memref_squeeze %dma_start3A_147 : memref<1x2x128xi32, #tpu.memory_space<hbm>> -> memref<2x128xi32, #tpu.memory_space<hbm>>
          %dma_start3A_149 = arith.constant 0 : i32
          %dma_start3A_150 = arith.constant 0 : i32
          %dma_start3A_151 = tpu.memref_slice %arg3[%add3A_144, %dma_start3A_149, %dma_start3A_150] : memref<2512x2x128xi32, #tpu.memory_space<hbm>> -> memref<1x2x128xi32, #tpu.memory_space<hbm>>
          %dma_start3A_152 = tpu.memref_squeeze %dma_start3A_151 : memref<1x2x128xi32, #tpu.memory_space<hbm>> -> memref<2x128xi32, #tpu.memory_space<hbm>>
          tpu.enqueue_dma source(%dma_start3A_152 : memref<2x128xi32, #tpu.memory_space<hbm>>) target(%arg9 : memref<2x128xi32, #tpu.memory_space<vmem>>) target_semaphore(%arg15 : memref<!tpu.dma_semaphore, #tpu.memory_space<semaphore_mem>>)
        } else {
        }
        %mul3A_115 = arith.constant 2 : i32
        %mul3A_116 = arith.muli %mul3A_115, %scan3A_91 : i32
        %add3A_117 = arith.constant 1 : i32
        %add3A_118 = arith.addi %mul3A_116, %add3A_117 : i32
        %dma_wait3A_119 = arith.constant 0 : i32
        %dma_wait3A_120 = arith.constant 0 : i32
        %dma_wait3A_121 = tpu.memref_slice %arg10[%dma_wait3A_119, %dma_wait3A_120] : memref<2x128xi32, #tpu.memory_space<vmem>> -> memref<1x128xi32, #tpu.memory_space<vmem>>
        %dma_wait3A_122 = tpu.memref_squeeze %dma_wait3A_121 : memref<1x128xi32, #tpu.memory_space<vmem>> -> memref<128xi32, #tpu.memory_space<vmem>>
        %dma_wait3A_123 = arith.constant 0 : i32
        %dma_wait3A_124 = arith.constant 0 : i32
        %dma_wait3A_125 = tpu.memref_slice %arg2[%dma_wait3A_123, %dma_wait3A_124] : memref<80000x128xf32, #tpu.memory_space<hbm>> -> memref<80000x128xf32, #tpu.memory_space<hbm>>
        tpu.wait_indirect_dma semaphore(%arg18 : memref<!tpu.dma_semaphore, #tpu.memory_space<semaphore_mem>>) src(%dma_wait3A_125 : memref<80000x128xf32, #tpu.memory_space<hbm>>) dst(%arg12 : memref<128x128xf32, #tpu.memory_space<vmem>>)
        %add3A_126 = arith.constant 1 : i32
        %add3A_127 = arith.addi %add3A_118, %add3A_126 : i32
        %lt3A_128 = arith.constant 102 : i32
        %lt3A_129 = arith.cmpi slt, %add3A_127, %lt3A_128 : i32
        %convert_element_type3A_130 = arith.extui %lt3A_129 : i1 to i32
        %cond3A_131 = arith.constant 0 : i32
        %cond3A_132 = arith.cmpi ne, %convert_element_type3A_130, %cond3A_131 : i32
        scf.if %cond3A_132 {
          %add3A_142 = arith.constant 1 : i32
          %add3A_143 = arith.addi %add3A_118, %add3A_142 : i32
          %add3A_144 = arith.addi %mul3A_46, %add3A_143 : i32
          %dma_wait3A_145 = arith.constant 0 : i32
          %dma_wait3A_146 = arith.constant 0 : i32
          %dma_wait3A_147 = tpu.memref_slice %arg3[%add3A_144, %dma_wait3A_145, %dma_wait3A_146] : memref<2512x2x128xi32, #tpu.memory_space<hbm>> -> memref<1x2x128xi32, #tpu.memory_space<hbm>>
          %dma_wait3A_148 = tpu.memref_squeeze %dma_wait3A_147 : memref<1x2x128xi32, #tpu.memory_space<hbm>> -> memref<2x128xi32, #tpu.memory_space<hbm>>
          %dma_wait3A_149 = arith.constant 0 : i32
          %dma_wait3A_150 = arith.constant 0 : i32
          %dma_wait3A_151 = tpu.memref_slice %arg3[%add3A_144, %dma_wait3A_149, %dma_wait3A_150] : memref<2512x2x128xi32, #tpu.memory_space<hbm>> -> memref<1x2x128xi32, #tpu.memory_space<hbm>>
          %dma_wait3A_152 = tpu.memref_squeeze %dma_wait3A_151 : memref<1x2x128xi32, #tpu.memory_space<hbm>> -> memref<2x128xi32, #tpu.memory_space<hbm>>
          tpu.wait_dma2 semaphore(%arg15 : memref<!tpu.dma_semaphore, #tpu.memory_space<semaphore_mem>>) src(%dma_wait3A_152 : memref<2x128xi32, #tpu.memory_space<hbm>>) dst(%arg9 : memref<2x128xi32, #tpu.memory_space<vmem>>)
          %dma_start3A_153 = arith.constant 0 : i32
          %dma_start3A_154 = arith.constant 0 : i32
          %dma_start3A_155 = tpu.memref_slice %arg9[%dma_start3A_153, %dma_start3A_154] : memref<2x128xi32, #tpu.memory_space<vmem>> -> memref<1x128xi32, #tpu.memory_space<vmem>>
          %dma_start3A_156 = tpu.memref_squeeze %dma_start3A_155 : memref<1x128xi32, #tpu.memory_space<vmem>> -> memref<128xi32, #tpu.memory_space<vmem>>
          %dma_start3A_157 = arith.constant 0 : i32
          %dma_start3A_158 = arith.constant 0 : i32
          %dma_start3A_159 = tpu.memref_slice %arg2[%dma_start3A_157, %dma_start3A_158] : memref<80000x128xf32, #tpu.memory_space<hbm>> -> memref<80000x128xf32, #tpu.memory_space<hbm>>
          tpu.enqueue_indirect_dma source(%dma_start3A_159 : memref<80000x128xf32, #tpu.memory_space<hbm>>) target(%arg11 : memref<128x128xf32, #tpu.memory_space<vmem>>) offsets(%dma_start3A_156 : memref<128xi32, #tpu.memory_space<vmem>>) semaphore(%arg17 : memref<!tpu.dma_semaphore, #tpu.memory_space<semaphore_mem>>)
        } else {
        }
        %run_scoped3A_133 = arith.constant 1 : i32
        "tpu.region"() ({
          %run_scoped3A_142 = tpu.sem_alloc : memref<!tpu.dma_semaphore, #tpu.memory_space<semaphore_mem>>
          %dma_start3A_143 = arith.constant 0 : i32
          %dma_start3A_144 = tpu.memref_slice %arg10[%run_scoped3A_133, %dma_start3A_143] : memref<2x128xi32, #tpu.memory_space<vmem>> -> memref<1x128xi32, #tpu.memory_space<vmem>>
          %dma_start3A_145 = tpu.memref_squeeze %dma_start3A_144 : memref<1x128xi32, #tpu.memory_space<vmem>> -> memref<128xi32, #tpu.memory_space<vmem>>
          %dma_start3A_146 = arith.constant 0 : i32
          %dma_start3A_147 = arith.constant 0 : i32
          %dma_start3A_148 = tpu.memref_slice %arg8[%dma_start3A_146, %dma_start3A_147] : memref<10240x128xf32, #tpu.memory_space<vmem_shared>> -> memref<10240x128xf32, #tpu.memory_space<vmem_shared>>
          tpu.enqueue_indirect_dma source(%arg12 : memref<128x128xf32, #tpu.memory_space<vmem>>) target(%dma_start3A_148 : memref<10240x128xf32, #tpu.memory_space<vmem_shared>>) offsets(%dma_start3A_145 : memref<128xi32, #tpu.memory_space<vmem>>) semaphore(%run_scoped3A_142 : memref<!tpu.dma_semaphore, #tpu.memory_space<semaphore_mem>>) {add = true}
          %dma_wait3A_149 = arith.constant 0 : i32
          %dma_wait3A_150 = tpu.memref_slice %arg10[%run_scoped3A_133, %dma_wait3A_149] : memref<2x128xi32, #tpu.memory_space<vmem>> -> memref<1x128xi32, #tpu.memory_space<vmem>>
          %dma_wait3A_151 = tpu.memref_squeeze %dma_wait3A_150 : memref<1x128xi32, #tpu.memory_space<vmem>> -> memref<128xi32, #tpu.memory_space<vmem>>
          %dma_wait3A_152 = arith.constant 0 : i32
          %dma_wait3A_153 = arith.constant 0 : i32
          %dma_wait3A_154 = tpu.memref_slice %arg8[%dma_wait3A_152, %dma_wait3A_153] : memref<10240x128xf32, #tpu.memory_space<vmem_shared>> -> memref<10240x128xf32, #tpu.memory_space<vmem_shared>>
          tpu.wait_indirect_dma semaphore(%run_scoped3A_142 : memref<!tpu.dma_semaphore, #tpu.memory_space<semaphore_mem>>) src(%arg12 : memref<128x128xf32, #tpu.memory_space<vmem>>) dst(%dma_wait3A_154 : memref<10240x128xf32, #tpu.memory_space<vmem_shared>>)
          tpu.yield
        }) : () -> ()
        %add3A_134 = arith.constant 2 : i32
        %add3A_135 = arith.addi %add3A_118, %add3A_134 : i32
        %lt3A_136 = arith.constant 102 : i32
        %lt3A_137 = arith.cmpi slt, %add3A_135, %lt3A_136 : i32
        %convert_element_type3A_138 = arith.extui %lt3A_137 : i1 to i32
        %cond3A_139 = arith.constant 0 : i32
        %cond3A_140 = arith.cmpi ne, %convert_element_type3A_138, %cond3A_139 : i32
        scf.if %cond3A_140 {
          %add3A_142 = arith.constant 2 : i32
          %add3A_143 = arith.addi %add3A_118, %add3A_142 : i32
          %add3A_144 = arith.addi %mul3A_46, %add3A_143 : i32
          %dma_start3A_145 = arith.constant 0 : i32
          %dma_start3A_146 = arith.constant 0 : i32
          %dma_start3A_147 = tpu.memref_slice %arg3[%add3A_144, %dma_start3A_145, %dma_start3A_146] : memref<2512x2x128xi32, #tpu.memory_space<hbm>> -> memref<1x2x128xi32, #tpu.memory_space<hbm>>
          %dma_start3A_148 = tpu.memref_squeeze %dma_start3A_147 : memref<1x2x128xi32, #tpu.memory_space<hbm>> -> memref<2x128xi32, #tpu.memory_space<hbm>>
          %dma_start3A_149 = arith.constant 0 : i32
          %dma_start3A_150 = arith.constant 0 : i32
          %dma_start3A_151 = tpu.memref_slice %arg3[%add3A_144, %dma_start3A_149, %dma_start3A_150] : memref<2512x2x128xi32, #tpu.memory_space<hbm>> -> memref<1x2x128xi32, #tpu.memory_space<hbm>>
          %dma_start3A_152 = tpu.memref_squeeze %dma_start3A_151 : memref<1x2x128xi32, #tpu.memory_space<hbm>> -> memref<2x128xi32, #tpu.memory_space<hbm>>
          tpu.enqueue_dma source(%dma_start3A_152 : memref<2x128xi32, #tpu.memory_space<hbm>>) target(%arg10 : memref<2x128xi32, #tpu.memory_space<vmem>>) target_semaphore(%arg16 : memref<!tpu.dma_semaphore, #tpu.memory_space<semaphore_mem>>)
        } else {
        }
        %scan3A_141 = arith.constant 0 : i32
        scf.yield %scan3A_141 : i32
      }
      %scan3A_90 = arith.constant 51 : i32
    } else {
    }
    %eq3A_19 = arith.constant 1 : i32
    %eq3A_20 = arith.cmpi eq, %arg0, %eq3A_19 : i32
    %convert_element_type3A_21 = arith.extui %eq3A_20 : i1 to i32
    %cond3A_22 = arith.constant 0 : i32
    %cond3A_23 = arith.cmpi ne, %convert_element_type3A_21, %cond3A_22 : i32
    scf.if %cond3A_23 {
      %mul3A_45 = arith.constant 55 : i32
      %mul3A_46 = arith.muli %arg1, %mul3A_45 : i32
      %add3A_47 = arith.constant 1632 : i32
      %add3A_48 = arith.addi %add3A_47, %mul3A_46 : i32
      %add3A_49 = arith.constant 0 : i32
      %add3A_50 = arith.addi %add3A_48, %add3A_49 : i32
      %dma_start3A_51 = arith.constant 0 : i32
      %dma_start3A_52 = arith.constant 0 : i32
      %dma_start3A_53 = tpu.memref_slice %arg3[%add3A_50, %dma_start3A_51, %dma_start3A_52] : memref<2512x2x128xi32, #tpu.memory_space<hbm>> -> memref<1x2x128xi32, #tpu.memory_space<hbm>>
      %dma_start3A_54 = tpu.memref_squeeze %dma_start3A_53 : memref<1x2x128xi32, #tpu.memory_space<hbm>> -> memref<2x128xi32, #tpu.memory_space<hbm>>
      %dma_start3A_55 = arith.constant 0 : i32
      %dma_start3A_56 = arith.constant 0 : i32
      %dma_start3A_57 = tpu.memref_slice %arg3[%add3A_50, %dma_start3A_55, %dma_start3A_56] : memref<2512x2x128xi32, #tpu.memory_space<hbm>> -> memref<1x2x128xi32, #tpu.memory_space<hbm>>
      %dma_start3A_58 = tpu.memref_squeeze %dma_start3A_57 : memref<1x2x128xi32, #tpu.memory_space<hbm>> -> memref<2x128xi32, #tpu.memory_space<hbm>>
      tpu.enqueue_dma source(%dma_start3A_58 : memref<2x128xi32, #tpu.memory_space<hbm>>) target(%arg9 : memref<2x128xi32, #tpu.memory_space<vmem>>) target_semaphore(%arg15 : memref<!tpu.dma_semaphore, #tpu.memory_space<semaphore_mem>>)
      %add3A_59 = arith.constant 1 : i32
      %add3A_60 = arith.addi %add3A_48, %add3A_59 : i32
      %dma_start3A_61 = arith.constant 0 : i32
      %dma_start3A_62 = arith.constant 0 : i32
      %dma_start3A_63 = tpu.memref_slice %arg3[%add3A_60, %dma_start3A_61, %dma_start3A_62] : memref<2512x2x128xi32, #tpu.memory_space<hbm>> -> memref<1x2x128xi32, #tpu.memory_space<hbm>>
      %dma_start3A_64 = tpu.memref_squeeze %dma_start3A_63 : memref<1x2x128xi32, #tpu.memory_space<hbm>> -> memref<2x128xi32, #tpu.memory_space<hbm>>
      %dma_start3A_65 = arith.constant 0 : i32
      %dma_start3A_66 = arith.constant 0 : i32
      %dma_start3A_67 = tpu.memref_slice %arg3[%add3A_60, %dma_start3A_65, %dma_start3A_66] : memref<2512x2x128xi32, #tpu.memory_space<hbm>> -> memref<1x2x128xi32, #tpu.memory_space<hbm>>
      %dma_start3A_68 = tpu.memref_squeeze %dma_start3A_67 : memref<1x2x128xi32, #tpu.memory_space<hbm>> -> memref<2x128xi32, #tpu.memory_space<hbm>>
      tpu.enqueue_dma source(%dma_start3A_68 : memref<2x128xi32, #tpu.memory_space<hbm>>) target(%arg10 : memref<2x128xi32, #tpu.memory_space<vmem>>) target_semaphore(%arg16 : memref<!tpu.dma_semaphore, #tpu.memory_space<semaphore_mem>>)
      %add3A_69 = arith.constant 0 : i32
      %add3A_70 = arith.addi %add3A_48, %add3A_69 : i32
      %dma_wait3A_71 = arith.constant 0 : i32
      %dma_wait3A_72 = arith.constant 0 : i32
      %dma_wait3A_73 = tpu.memref_slice %arg3[%add3A_70, %dma_wait3A_71, %dma_wait3A_72] : memref<2512x2x128xi32, #tpu.memory_space<hbm>> -> memref<1x2x128xi32, #tpu.memory_space<hbm>>
      %dma_wait3A_74 = tpu.memref_squeeze %dma_wait3A_73 : memref<1x2x128xi32, #tpu.memory_space<hbm>> -> memref<2x128xi32, #tpu.memory_space<hbm>>
      %dma_wait3A_75 = arith.constant 0 : i32
      %dma_wait3A_76 = arith.constant 0 : i32
      %dma_wait3A_77 = tpu.memref_slice %arg3[%add3A_70, %dma_wait3A_75, %dma_wait3A_76] : memref<2512x2x128xi32, #tpu.memory_space<hbm>> -> memref<1x2x128xi32, #tpu.memory_space<hbm>>
      %dma_wait3A_78 = tpu.memref_squeeze %dma_wait3A_77 : memref<1x2x128xi32, #tpu.memory_space<hbm>> -> memref<2x128xi32, #tpu.memory_space<hbm>>
      tpu.wait_dma2 semaphore(%arg15 : memref<!tpu.dma_semaphore, #tpu.memory_space<semaphore_mem>>) src(%dma_wait3A_78 : memref<2x128xi32, #tpu.memory_space<hbm>>) dst(%arg9 : memref<2x128xi32, #tpu.memory_space<vmem>>)
      %dma_start3A_79 = arith.constant 0 : i32
      %dma_start3A_80 = arith.constant 0 : i32
      %dma_start3A_81 = tpu.memref_slice %arg9[%dma_start3A_79, %dma_start3A_80] : memref<2x128xi32, #tpu.memory_space<vmem>> -> memref<1x128xi32, #tpu.memory_space<vmem>>
      %dma_start3A_82 = tpu.memref_squeeze %dma_start3A_81 : memref<1x128xi32, #tpu.memory_space<vmem>> -> memref<128xi32, #tpu.memory_space<vmem>>
      %dma_start3A_83 = arith.constant 0 : i32
      %dma_start3A_84 = arith.constant 0 : i32
      %dma_start3A_85 = tpu.memref_slice %arg2[%dma_start3A_83, %dma_start3A_84] : memref<80000x128xf32, #tpu.memory_space<hbm>> -> memref<80000x128xf32, #tpu.memory_space<hbm>>
      tpu.enqueue_indirect_dma source(%dma_start3A_85 : memref<80000x128xf32, #tpu.memory_space<hbm>>) target(%arg11 : memref<128x128xf32, #tpu.memory_space<vmem>>) offsets(%dma_start3A_82 : memref<128xi32, #tpu.memory_space<vmem>>) semaphore(%arg17 : memref<!tpu.dma_semaphore, #tpu.memory_space<semaphore_mem>>)
      %scan3A_86 = arith.constant 0 : i32
      %scan3A_87 = arith.constant 0 : i32
      %scan3A_88 = arith.constant 27 : i32
      %scan3A_89 = arith.addi %scan3A_87, %scan3A_88 : i32
      %scan3A_90 = arith.constant 1 : i32
      %scan3A_91 = scf.for %scan3A_100 = %scan3A_87 to %scan3A_89 step %scan3A_90 iter_args(%scan3A_101 = %scan3A_86) -> (i32)  : i32 {
        %mul3A_102 = arith.constant 2 : i32
        %mul3A_103 = arith.muli %mul3A_102, %scan3A_100 : i32
        %dma_wait3A_104 = arith.constant 0 : i32
        %dma_wait3A_105 = arith.constant 0 : i32
        %dma_wait3A_106 = tpu.memref_slice %arg9[%dma_wait3A_104, %dma_wait3A_105] : memref<2x128xi32, #tpu.memory_space<vmem>> -> memref<1x128xi32, #tpu.memory_space<vmem>>
        %dma_wait3A_107 = tpu.memref_squeeze %dma_wait3A_106 : memref<1x128xi32, #tpu.memory_space<vmem>> -> memref<128xi32, #tpu.memory_space<vmem>>
        %dma_wait3A_108 = arith.constant 0 : i32
        %dma_wait3A_109 = arith.constant 0 : i32
        %dma_wait3A_110 = tpu.memref_slice %arg2[%dma_wait3A_108, %dma_wait3A_109] : memref<80000x128xf32, #tpu.memory_space<hbm>> -> memref<80000x128xf32, #tpu.memory_space<hbm>>
        tpu.wait_indirect_dma semaphore(%arg17 : memref<!tpu.dma_semaphore, #tpu.memory_space<semaphore_mem>>) src(%dma_wait3A_110 : memref<80000x128xf32, #tpu.memory_space<hbm>>) dst(%arg11 : memref<128x128xf32, #tpu.memory_space<vmem>>)
        %add3A_111 = arith.constant 1 : i32
        %add3A_112 = arith.addi %mul3A_103, %add3A_111 : i32
        %lt3A = arith.constant 55 : i32
        %lt3A_113 = arith.cmpi slt, %add3A_112, %lt3A : i32
        %convert_element_type3A_114 = arith.extui %lt3A_113 : i1 to i32
        %cond3A_115 = arith.constant 0 : i32
        %cond3A_116 = arith.cmpi ne, %convert_element_type3A_114, %cond3A_115 : i32
        scf.if %cond3A_116 {
          %add3A_152 = arith.constant 1 : i32
          %add3A_153 = arith.addi %mul3A_103, %add3A_152 : i32
          %add3A_154 = arith.addi %add3A_48, %add3A_153 : i32
          %dma_wait3A_155 = arith.constant 0 : i32
          %dma_wait3A_156 = arith.constant 0 : i32
          %dma_wait3A_157 = tpu.memref_slice %arg3[%add3A_154, %dma_wait3A_155, %dma_wait3A_156] : memref<2512x2x128xi32, #tpu.memory_space<hbm>> -> memref<1x2x128xi32, #tpu.memory_space<hbm>>
          %dma_wait3A_158 = tpu.memref_squeeze %dma_wait3A_157 : memref<1x2x128xi32, #tpu.memory_space<hbm>> -> memref<2x128xi32, #tpu.memory_space<hbm>>
          %dma_wait3A_159 = arith.constant 0 : i32
          %dma_wait3A_160 = arith.constant 0 : i32
          %dma_wait3A_161 = tpu.memref_slice %arg3[%add3A_154, %dma_wait3A_159, %dma_wait3A_160] : memref<2512x2x128xi32, #tpu.memory_space<hbm>> -> memref<1x2x128xi32, #tpu.memory_space<hbm>>
          %dma_wait3A_162 = tpu.memref_squeeze %dma_wait3A_161 : memref<1x2x128xi32, #tpu.memory_space<hbm>> -> memref<2x128xi32, #tpu.memory_space<hbm>>
          tpu.wait_dma2 semaphore(%arg16 : memref<!tpu.dma_semaphore, #tpu.memory_space<semaphore_mem>>) src(%dma_wait3A_162 : memref<2x128xi32, #tpu.memory_space<hbm>>) dst(%arg10 : memref<2x128xi32, #tpu.memory_space<vmem>>)
          %dma_start3A_163 = arith.constant 0 : i32
          %dma_start3A_164 = arith.constant 0 : i32
          %dma_start3A_165 = tpu.memref_slice %arg10[%dma_start3A_163, %dma_start3A_164] : memref<2x128xi32, #tpu.memory_space<vmem>> -> memref<1x128xi32, #tpu.memory_space<vmem>>
          %dma_start3A_166 = tpu.memref_squeeze %dma_start3A_165 : memref<1x128xi32, #tpu.memory_space<vmem>> -> memref<128xi32, #tpu.memory_space<vmem>>
          %dma_start3A_167 = arith.constant 0 : i32
          %dma_start3A_168 = arith.constant 0 : i32
          %dma_start3A_169 = tpu.memref_slice %arg2[%dma_start3A_167, %dma_start3A_168] : memref<80000x128xf32, #tpu.memory_space<hbm>> -> memref<80000x128xf32, #tpu.memory_space<hbm>>
          tpu.enqueue_indirect_dma source(%dma_start3A_169 : memref<80000x128xf32, #tpu.memory_space<hbm>>) target(%arg12 : memref<128x128xf32, #tpu.memory_space<vmem>>) offsets(%dma_start3A_166 : memref<128xi32, #tpu.memory_space<vmem>>) semaphore(%arg18 : memref<!tpu.dma_semaphore, #tpu.memory_space<semaphore_mem>>)
        } else {
        }
        %run_scoped3A_117 = arith.constant 1 : i32
        "tpu.region"() ({
          %run_scoped3A_152 = tpu.sem_alloc : memref<!tpu.dma_semaphore, #tpu.memory_space<semaphore_mem>>
          %dma_start3A_153 = arith.constant 0 : i32
          %dma_start3A_154 = tpu.memref_slice %arg9[%run_scoped3A_117, %dma_start3A_153] : memref<2x128xi32, #tpu.memory_space<vmem>> -> memref<1x128xi32, #tpu.memory_space<vmem>>
          %dma_start3A_155 = tpu.memref_squeeze %dma_start3A_154 : memref<1x128xi32, #tpu.memory_space<vmem>> -> memref<128xi32, #tpu.memory_space<vmem>>
          %dma_start3A_156 = arith.constant 0 : i32
          %dma_start3A_157 = arith.constant 0 : i32
          %dma_start3A_158 = tpu.memref_slice %arg8[%dma_start3A_156, %dma_start3A_157] : memref<10240x128xf32, #tpu.memory_space<vmem_shared>> -> memref<10240x128xf32, #tpu.memory_space<vmem_shared>>
          tpu.enqueue_indirect_dma source(%arg11 : memref<128x128xf32, #tpu.memory_space<vmem>>) target(%dma_start3A_158 : memref<10240x128xf32, #tpu.memory_space<vmem_shared>>) offsets(%dma_start3A_155 : memref<128xi32, #tpu.memory_space<vmem>>) semaphore(%run_scoped3A_152 : memref<!tpu.dma_semaphore, #tpu.memory_space<semaphore_mem>>) {add = true}
          %dma_wait3A_159 = arith.constant 0 : i32
          %dma_wait3A_160 = tpu.memref_slice %arg9[%run_scoped3A_117, %dma_wait3A_159] : memref<2x128xi32, #tpu.memory_space<vmem>> -> memref<1x128xi32, #tpu.memory_space<vmem>>
          %dma_wait3A_161 = tpu.memref_squeeze %dma_wait3A_160 : memref<1x128xi32, #tpu.memory_space<vmem>> -> memref<128xi32, #tpu.memory_space<vmem>>
          %dma_wait3A_162 = arith.constant 0 : i32
          %dma_wait3A_163 = arith.constant 0 : i32
          %dma_wait3A_164 = tpu.memref_slice %arg8[%dma_wait3A_162, %dma_wait3A_163] : memref<10240x128xf32, #tpu.memory_space<vmem_shared>> -> memref<10240x128xf32, #tpu.memory_space<vmem_shared>>
          tpu.wait_indirect_dma semaphore(%run_scoped3A_152 : memref<!tpu.dma_semaphore, #tpu.memory_space<semaphore_mem>>) src(%arg11 : memref<128x128xf32, #tpu.memory_space<vmem>>) dst(%dma_wait3A_164 : memref<10240x128xf32, #tpu.memory_space<vmem_shared>>)
          tpu.yield
        }) : () -> ()
        %add3A_118 = arith.constant 2 : i32
        %add3A_119 = arith.addi %mul3A_103, %add3A_118 : i32
        %lt3A_120 = arith.constant 55 : i32
        %lt3A_121 = arith.cmpi slt, %add3A_119, %lt3A_120 : i32
        %convert_element_type3A_122 = arith.extui %lt3A_121 : i1 to i32
        %cond3A_123 = arith.constant 0 : i32
        %cond3A_124 = arith.cmpi ne, %convert_element_type3A_122, %cond3A_123 : i32
        scf.if %cond3A_124 {
          %add3A_152 = arith.constant 2 : i32
          %add3A_153 = arith.addi %mul3A_103, %add3A_152 : i32
          %add3A_154 = arith.addi %add3A_48, %add3A_153 : i32
          %dma_start3A_155 = arith.constant 0 : i32
          %dma_start3A_156 = arith.constant 0 : i32
          %dma_start3A_157 = tpu.memref_slice %arg3[%add3A_154, %dma_start3A_155, %dma_start3A_156] : memref<2512x2x128xi32, #tpu.memory_space<hbm>> -> memref<1x2x128xi32, #tpu.memory_space<hbm>>
          %dma_start3A_158 = tpu.memref_squeeze %dma_start3A_157 : memref<1x2x128xi32, #tpu.memory_space<hbm>> -> memref<2x128xi32, #tpu.memory_space<hbm>>
          %dma_start3A_159 = arith.constant 0 : i32
          %dma_start3A_160 = arith.constant 0 : i32
          %dma_start3A_161 = tpu.memref_slice %arg3[%add3A_154, %dma_start3A_159, %dma_start3A_160] : memref<2512x2x128xi32, #tpu.memory_space<hbm>> -> memref<1x2x128xi32, #tpu.memory_space<hbm>>
          %dma_start3A_162 = tpu.memref_squeeze %dma_start3A_161 : memref<1x2x128xi32, #tpu.memory_space<hbm>> -> memref<2x128xi32, #tpu.memory_space<hbm>>
          tpu.enqueue_dma source(%dma_start3A_162 : memref<2x128xi32, #tpu.memory_space<hbm>>) target(%arg9 : memref<2x128xi32, #tpu.memory_space<vmem>>) target_semaphore(%arg15 : memref<!tpu.dma_semaphore, #tpu.memory_space<semaphore_mem>>)
        } else {
        }
        %mul3A_125 = arith.constant 2 : i32
        %mul3A_126 = arith.muli %mul3A_125, %scan3A_100 : i32
        %add3A_127 = arith.constant 1 : i32
        %add3A_128 = arith.addi %mul3A_126, %add3A_127 : i32
        %dma_wait3A_129 = arith.constant 0 : i32
        %dma_wait3A_130 = arith.constant 0 : i32
        %dma_wait3A_131 = tpu.memref_slice %arg10[%dma_wait3A_129, %dma_wait3A_130] : memref<2x128xi32, #tpu.memory_space<vmem>> -> memref<1x128xi32, #tpu.memory_space<vmem>>
        %dma_wait3A_132 = tpu.memref_squeeze %dma_wait3A_131 : memref<1x128xi32, #tpu.memory_space<vmem>> -> memref<128xi32, #tpu.memory_space<vmem>>
        %dma_wait3A_133 = arith.constant 0 : i32
        %dma_wait3A_134 = arith.constant 0 : i32
        %dma_wait3A_135 = tpu.memref_slice %arg2[%dma_wait3A_133, %dma_wait3A_134] : memref<80000x128xf32, #tpu.memory_space<hbm>> -> memref<80000x128xf32, #tpu.memory_space<hbm>>
        tpu.wait_indirect_dma semaphore(%arg18 : memref<!tpu.dma_semaphore, #tpu.memory_space<semaphore_mem>>) src(%dma_wait3A_135 : memref<80000x128xf32, #tpu.memory_space<hbm>>) dst(%arg12 : memref<128x128xf32, #tpu.memory_space<vmem>>)
        %add3A_136 = arith.constant 1 : i32
        %add3A_137 = arith.addi %add3A_128, %add3A_136 : i32
        %lt3A_138 = arith.constant 55 : i32
        %lt3A_139 = arith.cmpi slt, %add3A_137, %lt3A_138 : i32
        %convert_element_type3A_140 = arith.extui %lt3A_139 : i1 to i32
        %cond3A_141 = arith.constant 0 : i32
        %cond3A_142 = arith.cmpi ne, %convert_element_type3A_140, %cond3A_141 : i32
        scf.if %cond3A_142 {
          %add3A_152 = arith.constant 1 : i32
          %add3A_153 = arith.addi %add3A_128, %add3A_152 : i32
          %add3A_154 = arith.addi %add3A_48, %add3A_153 : i32
          %dma_wait3A_155 = arith.constant 0 : i32
          %dma_wait3A_156 = arith.constant 0 : i32
          %dma_wait3A_157 = tpu.memref_slice %arg3[%add3A_154, %dma_wait3A_155, %dma_wait3A_156] : memref<2512x2x128xi32, #tpu.memory_space<hbm>> -> memref<1x2x128xi32, #tpu.memory_space<hbm>>
          %dma_wait3A_158 = tpu.memref_squeeze %dma_wait3A_157 : memref<1x2x128xi32, #tpu.memory_space<hbm>> -> memref<2x128xi32, #tpu.memory_space<hbm>>
          %dma_wait3A_159 = arith.constant 0 : i32
          %dma_wait3A_160 = arith.constant 0 : i32
          %dma_wait3A_161 = tpu.memref_slice %arg3[%add3A_154, %dma_wait3A_159, %dma_wait3A_160] : memref<2512x2x128xi32, #tpu.memory_space<hbm>> -> memref<1x2x128xi32, #tpu.memory_space<hbm>>
          %dma_wait3A_162 = tpu.memref_squeeze %dma_wait3A_161 : memref<1x2x128xi32, #tpu.memory_space<hbm>> -> memref<2x128xi32, #tpu.memory_space<hbm>>
          tpu.wait_dma2 semaphore(%arg15 : memref<!tpu.dma_semaphore, #tpu.memory_space<semaphore_mem>>) src(%dma_wait3A_162 : memref<2x128xi32, #tpu.memory_space<hbm>>) dst(%arg9 : memref<2x128xi32, #tpu.memory_space<vmem>>)
          %dma_start3A_163 = arith.constant 0 : i32
          %dma_start3A_164 = arith.constant 0 : i32
          %dma_start3A_165 = tpu.memref_slice %arg9[%dma_start3A_163, %dma_start3A_164] : memref<2x128xi32, #tpu.memory_space<vmem>> -> memref<1x128xi32, #tpu.memory_space<vmem>>
          %dma_start3A_166 = tpu.memref_squeeze %dma_start3A_165 : memref<1x128xi32, #tpu.memory_space<vmem>> -> memref<128xi32, #tpu.memory_space<vmem>>
          %dma_start3A_167 = arith.constant 0 : i32
          %dma_start3A_168 = arith.constant 0 : i32
          %dma_start3A_169 = tpu.memref_slice %arg2[%dma_start3A_167, %dma_start3A_168] : memref<80000x128xf32, #tpu.memory_space<hbm>> -> memref<80000x128xf32, #tpu.memory_space<hbm>>
          tpu.enqueue_indirect_dma source(%dma_start3A_169 : memref<80000x128xf32, #tpu.memory_space<hbm>>) target(%arg11 : memref<128x128xf32, #tpu.memory_space<vmem>>) offsets(%dma_start3A_166 : memref<128xi32, #tpu.memory_space<vmem>>) semaphore(%arg17 : memref<!tpu.dma_semaphore, #tpu.memory_space<semaphore_mem>>)
        } else {
        }
        %run_scoped3A_143 = arith.constant 1 : i32
        "tpu.region"() ({
          %run_scoped3A_152 = tpu.sem_alloc : memref<!tpu.dma_semaphore, #tpu.memory_space<semaphore_mem>>
          %dma_start3A_153 = arith.constant 0 : i32
          %dma_start3A_154 = tpu.memref_slice %arg10[%run_scoped3A_143, %dma_start3A_153] : memref<2x128xi32, #tpu.memory_space<vmem>> -> memref<1x128xi32, #tpu.memory_space<vmem>>
          %dma_start3A_155 = tpu.memref_squeeze %dma_start3A_154 : memref<1x128xi32, #tpu.memory_space<vmem>> -> memref<128xi32, #tpu.memory_space<vmem>>
          %dma_start3A_156 = arith.constant 0 : i32
          %dma_start3A_157 = arith.constant 0 : i32
          %dma_start3A_158 = tpu.memref_slice %arg8[%dma_start3A_156, %dma_start3A_157] : memref<10240x128xf32, #tpu.memory_space<vmem_shared>> -> memref<10240x128xf32, #tpu.memory_space<vmem_shared>>
          tpu.enqueue_indirect_dma source(%arg12 : memref<128x128xf32, #tpu.memory_space<vmem>>) target(%dma_start3A_158 : memref<10240x128xf32, #tpu.memory_space<vmem_shared>>) offsets(%dma_start3A_155 : memref<128xi32, #tpu.memory_space<vmem>>) semaphore(%run_scoped3A_152 : memref<!tpu.dma_semaphore, #tpu.memory_space<semaphore_mem>>) {add = true}
          %dma_wait3A_159 = arith.constant 0 : i32
          %dma_wait3A_160 = tpu.memref_slice %arg10[%run_scoped3A_143, %dma_wait3A_159] : memref<2x128xi32, #tpu.memory_space<vmem>> -> memref<1x128xi32, #tpu.memory_space<vmem>>
          %dma_wait3A_161 = tpu.memref_squeeze %dma_wait3A_160 : memref<1x128xi32, #tpu.memory_space<vmem>> -> memref<128xi32, #tpu.memory_space<vmem>>
          %dma_wait3A_162 = arith.constant 0 : i32
          %dma_wait3A_163 = arith.constant 0 : i32
          %dma_wait3A_164 = tpu.memref_slice %arg8[%dma_wait3A_162, %dma_wait3A_163] : memref<10240x128xf32, #tpu.memory_space<vmem_shared>> -> memref<10240x128xf32, #tpu.memory_space<vmem_shared>>
          tpu.wait_indirect_dma semaphore(%run_scoped3A_152 : memref<!tpu.dma_semaphore, #tpu.memory_space<semaphore_mem>>) src(%arg12 : memref<128x128xf32, #tpu.memory_space<vmem>>) dst(%dma_wait3A_164 : memref<10240x128xf32, #tpu.memory_space<vmem_shared>>)
          tpu.yield
        }) : () -> ()
        %add3A_144 = arith.constant 2 : i32
        %add3A_145 = arith.addi %add3A_128, %add3A_144 : i32
        %lt3A_146 = arith.constant 55 : i32
        %lt3A_147 = arith.cmpi slt, %add3A_145, %lt3A_146 : i32
        %convert_element_type3A_148 = arith.extui %lt3A_147 : i1 to i32
        %cond3A_149 = arith.constant 0 : i32
        %cond3A_150 = arith.cmpi ne, %convert_element_type3A_148, %cond3A_149 : i32
        scf.if %cond3A_150 {
          %add3A_152 = arith.constant 2 : i32
          %add3A_153 = arith.addi %add3A_128, %add3A_152 : i32
          %add3A_154 = arith.addi %add3A_48, %add3A_153 : i32
          %dma_start3A_155 = arith.constant 0 : i32
          %dma_start3A_156 = arith.constant 0 : i32
          %dma_start3A_157 = tpu.memref_slice %arg3[%add3A_154, %dma_start3A_155, %dma_start3A_156] : memref<2512x2x128xi32, #tpu.memory_space<hbm>> -> memref<1x2x128xi32, #tpu.memory_space<hbm>>
          %dma_start3A_158 = tpu.memref_squeeze %dma_start3A_157 : memref<1x2x128xi32, #tpu.memory_space<hbm>> -> memref<2x128xi32, #tpu.memory_space<hbm>>
          %dma_start3A_159 = arith.constant 0 : i32
          %dma_start3A_160 = arith.constant 0 : i32
          %dma_start3A_161 = tpu.memref_slice %arg3[%add3A_154, %dma_start3A_159, %dma_start3A_160] : memref<2512x2x128xi32, #tpu.memory_space<hbm>> -> memref<1x2x128xi32, #tpu.memory_space<hbm>>
          %dma_start3A_162 = tpu.memref_squeeze %dma_start3A_161 : memref<1x2x128xi32, #tpu.memory_space<hbm>> -> memref<2x128xi32, #tpu.memory_space<hbm>>
          tpu.enqueue_dma source(%dma_start3A_162 : memref<2x128xi32, #tpu.memory_space<hbm>>) target(%arg10 : memref<2x128xi32, #tpu.memory_space<vmem>>) target_semaphore(%arg16 : memref<!tpu.dma_semaphore, #tpu.memory_space<semaphore_mem>>)
        } else {
        }
        %scan3A_151 = arith.constant 0 : i32
        scf.yield %scan3A_151 : i32
      }
      %scan3A_92 = arith.constant 27 : i32
      %dma_wait3A_93 = arith.constant 0 : i32
      %dma_wait3A_94 = arith.constant 0 : i32
      %dma_wait3A_95 = tpu.memref_slice %arg9[%dma_wait3A_93, %dma_wait3A_94] : memref<2x128xi32, #tpu.memory_space<vmem>> -> memref<1x128xi32, #tpu.memory_space<vmem>>
      %dma_wait3A_96 = tpu.memref_squeeze %dma_wait3A_95 : memref<1x128xi32, #tpu.memory_space<vmem>> -> memref<128xi32, #tpu.memory_space<vmem>>
      %dma_wait3A_97 = arith.constant 0 : i32
      %dma_wait3A_98 = arith.constant 0 : i32
      %dma_wait3A_99 = tpu.memref_slice %arg2[%dma_wait3A_97, %dma_wait3A_98] : memref<80000x128xf32, #tpu.memory_space<hbm>> -> memref<80000x128xf32, #tpu.memory_space<hbm>>
      tpu.wait_indirect_dma semaphore(%arg17 : memref<!tpu.dma_semaphore, #tpu.memory_space<semaphore_mem>>) src(%dma_wait3A_99 : memref<80000x128xf32, #tpu.memory_space<hbm>>) dst(%arg11 : memref<128x128xf32, #tpu.memory_space<vmem>>)
      %run_scoped3A = arith.constant 1 : i32
      "tpu.region"() ({
        %run_scoped3A_100 = tpu.sem_alloc : memref<!tpu.dma_semaphore, #tpu.memory_space<semaphore_mem>>
        %dma_start3A_101 = arith.constant 0 : i32
        %dma_start3A_102 = tpu.memref_slice %arg9[%run_scoped3A, %dma_start3A_101] : memref<2x128xi32, #tpu.memory_space<vmem>> -> memref<1x128xi32, #tpu.memory_space<vmem>>
        %dma_start3A_103 = tpu.memref_squeeze %dma_start3A_102 : memref<1x128xi32, #tpu.memory_space<vmem>> -> memref<128xi32, #tpu.memory_space<vmem>>
        %dma_start3A_104 = arith.constant 0 : i32
        %dma_start3A_105 = arith.constant 0 : i32
        %dma_start3A_106 = tpu.memref_slice %arg8[%dma_start3A_104, %dma_start3A_105] : memref<10240x128xf32, #tpu.memory_space<vmem_shared>> -> memref<10240x128xf32, #tpu.memory_space<vmem_shared>>
        tpu.enqueue_indirect_dma source(%arg11 : memref<128x128xf32, #tpu.memory_space<vmem>>) target(%dma_start3A_106 : memref<10240x128xf32, #tpu.memory_space<vmem_shared>>) offsets(%dma_start3A_103 : memref<128xi32, #tpu.memory_space<vmem>>) semaphore(%run_scoped3A_100 : memref<!tpu.dma_semaphore, #tpu.memory_space<semaphore_mem>>) {add = true}
        %dma_wait3A_107 = arith.constant 0 : i32
        %dma_wait3A_108 = tpu.memref_slice %arg9[%run_scoped3A, %dma_wait3A_107] : memref<2x128xi32, #tpu.memory_space<vmem>> -> memref<1x128xi32, #tpu.memory_space<vmem>>
        %dma_wait3A_109 = tpu.memref_squeeze %dma_wait3A_108 : memref<1x128xi32, #tpu.memory_space<vmem>> -> memref<128xi32, #tpu.memory_space<vmem>>
        %dma_wait3A_110 = arith.constant 0 : i32
        %dma_wait3A_111 = arith.constant 0 : i32
        %dma_wait3A_112 = tpu.memref_slice %arg8[%dma_wait3A_110, %dma_wait3A_111] : memref<10240x128xf32, #tpu.memory_space<vmem_shared>> -> memref<10240x128xf32, #tpu.memory_space<vmem_shared>>
        tpu.wait_indirect_dma semaphore(%run_scoped3A_100 : memref<!tpu.dma_semaphore, #tpu.memory_space<semaphore_mem>>) src(%arg11 : memref<128x128xf32, #tpu.memory_space<vmem>>) dst(%dma_wait3A_112 : memref<10240x128xf32, #tpu.memory_space<vmem_shared>>)
        tpu.yield
      }) : () -> ()
    } else {
    }
    %barrier3A_24 = arith.constant 0 : index
    tpu.barrier barrier_id(%barrier3A_24)
    %mul3A_25 = arith.constant 128 : i32
    %mul3A_26 = arith.muli %arg1, %mul3A_25 : i32
    "tpu.region"() ({
      %run_scoped3A = tpu.sem_alloc : memref<!tpu.dma_semaphore, #tpu.memory_space<semaphore_mem>>
      %dma_start3A_45 = tpu.memref_slice %arg4[%mul3A_26] : memref<2048xi32, #tpu.memory_space<hbm>> -> memref<128xi32, #tpu.memory_space<hbm>>
      %dma_start3A_46 = tpu.memref_slice %arg4[%mul3A_26] : memref<2048xi32, #tpu.memory_space<hbm>> -> memref<128xi32, #tpu.memory_space<hbm>>
      tpu.enqueue_dma source(%dma_start3A_46 : memref<128xi32, #tpu.memory_space<hbm>>) target(%arg13 : memref<128xi32, #tpu.memory_space<vmem>>) target_semaphore(%run_scoped3A : memref<!tpu.dma_semaphore, #tpu.memory_space<semaphore_mem>>)
      %dma_wait3A_47 = tpu.memref_slice %arg4[%mul3A_26] : memref<2048xi32, #tpu.memory_space<hbm>> -> memref<128xi32, #tpu.memory_space<hbm>>
      %dma_wait3A_48 = tpu.memref_slice %arg4[%mul3A_26] : memref<2048xi32, #tpu.memory_space<hbm>> -> memref<128xi32, #tpu.memory_space<hbm>>
      tpu.wait_dma2 semaphore(%run_scoped3A : memref<!tpu.dma_semaphore, #tpu.memory_space<semaphore_mem>>) src(%dma_wait3A_48 : memref<128xi32, #tpu.memory_space<hbm>>) dst(%arg13 : memref<128xi32, #tpu.memory_space<vmem>>)
      tpu.yield
    }) : () -> ()
    %dma_start3A = arith.constant 0 : i32
    %dma_start3A_27 = arith.constant 0 : i32
    %dma_start3A_28 = tpu.memref_slice %arg8[%dma_start3A, %dma_start3A_27] : memref<10240x128xf32, #tpu.memory_space<vmem_shared>> -> memref<10240x128xf32, #tpu.memory_space<vmem_shared>>
    tpu.enqueue_indirect_dma source(%dma_start3A_28 : memref<10240x128xf32, #tpu.memory_space<vmem_shared>>) target(%arg12 : memref<128x128xf32, #tpu.memory_space<vmem>>) offsets(%arg13 : memref<128xi32, #tpu.memory_space<vmem>>) semaphore(%arg19 : memref<!tpu.dma_semaphore, #tpu.memory_space<semaphore_mem>>)
    %dma_wait3A = arith.constant 0 : i32
    %dma_wait3A_29 = arith.constant 0 : i32
    %dma_wait3A_30 = tpu.memref_slice %arg8[%dma_wait3A, %dma_wait3A_29] : memref<10240x128xf32, #tpu.memory_space<vmem_shared>> -> memref<10240x128xf32, #tpu.memory_space<vmem_shared>>
    tpu.wait_indirect_dma semaphore(%arg19 : memref<!tpu.dma_semaphore, #tpu.memory_space<semaphore_mem>>) src(%dma_wait3A_30 : memref<10240x128xf32, #tpu.memory_space<vmem_shared>>) dst(%arg12 : memref<128x128xf32, #tpu.memory_space<vmem>>)
    "tpu.region"() ({
      %run_scoped3A = tpu.sem_alloc : memref<!tpu.dma_semaphore, #tpu.memory_space<semaphore_mem>>
      %dma_start3A_45 = arith.constant 0 : i32
      %dma_start3A_46 = tpu.memref_slice %arg6[%arg0, %mul3A_26, %dma_start3A_45] : memref<2x2048x128xf32, #tpu.memory_space<hbm>> -> memref<1x128x128xf32, #tpu.memory_space<hbm>>
      %dma_start3A_47 = tpu.memref_squeeze %dma_start3A_46 : memref<1x128x128xf32, #tpu.memory_space<hbm>> -> memref<128x128xf32, #tpu.memory_space<hbm>>
      %dma_start3A_48 = arith.constant 0 : i32
      %dma_start3A_49 = tpu.memref_slice %arg6[%arg0, %mul3A_26, %dma_start3A_48] : memref<2x2048x128xf32, #tpu.memory_space<hbm>> -> memref<1x128x128xf32, #tpu.memory_space<hbm>>
      %dma_start3A_50 = tpu.memref_squeeze %dma_start3A_49 : memref<1x128x128xf32, #tpu.memory_space<hbm>> -> memref<128x128xf32, #tpu.memory_space<hbm>>
      tpu.enqueue_dma source(%arg12 : memref<128x128xf32, #tpu.memory_space<vmem>>) target(%dma_start3A_50 : memref<128x128xf32, #tpu.memory_space<hbm>>) target_semaphore(%run_scoped3A : memref<!tpu.dma_semaphore, #tpu.memory_space<semaphore_mem>>)
      %dma_wait3A_51 = arith.constant 0 : i32
      %dma_wait3A_52 = tpu.memref_slice %arg6[%arg0, %mul3A_26, %dma_wait3A_51] : memref<2x2048x128xf32, #tpu.memory_space<hbm>> -> memref<1x128x128xf32, #tpu.memory_space<hbm>>
      %dma_wait3A_53 = tpu.memref_squeeze %dma_wait3A_52 : memref<1x128x128xf32, #tpu.memory_space<hbm>> -> memref<128x128xf32, #tpu.memory_space<hbm>>
      %dma_wait3A_54 = arith.constant 0 : i32
      %dma_wait3A_55 = tpu.memref_slice %arg6[%arg0, %mul3A_26, %dma_wait3A_54] : memref<2x2048x128xf32, #tpu.memory_space<hbm>> -> memref<1x128x128xf32, #tpu.memory_space<hbm>>
      %dma_wait3A_56 = tpu.memref_squeeze %dma_wait3A_55 : memref<1x128x128xf32, #tpu.memory_space<hbm>> -> memref<128x128xf32, #tpu.memory_space<hbm>>
      tpu.wait_dma2 semaphore(%run_scoped3A : memref<!tpu.dma_semaphore, #tpu.memory_space<semaphore_mem>>) src(%arg12 : memref<128x128xf32, #tpu.memory_space<vmem>>) dst(%dma_wait3A_56 : memref<128x128xf32, #tpu.memory_space<hbm>>)
      tpu.yield
    }) : () -> ()
    %mul3A_31 = arith.constant 64 : i32
    %mul3A_32 = arith.muli %add3A, %mul3A_31 : i32
    "tpu.region"() ({
      %run_scoped3A = tpu.sem_alloc : memref<!tpu.dma_semaphore, #tpu.memory_space<semaphore_mem>>
      %dma_start3A_45 = tpu.memref_slice %arg4[%mul3A_32] : memref<2048xi32, #tpu.memory_space<hbm>> -> memref<64xi32, #tpu.memory_space<hbm>>
      %dma_start3A_46 = tpu.memref_slice %arg4[%mul3A_32] : memref<2048xi32, #tpu.memory_space<hbm>> -> memref<64xi32, #tpu.memory_space<hbm>>
      tpu.enqueue_dma source(%dma_start3A_46 : memref<64xi32, #tpu.memory_space<hbm>>) target(%arg14 : memref<64xi32, #tpu.memory_space<vmem>>) target_semaphore(%run_scoped3A : memref<!tpu.dma_semaphore, #tpu.memory_space<semaphore_mem>>)
      %dma_wait3A_47 = tpu.memref_slice %arg4[%mul3A_32] : memref<2048xi32, #tpu.memory_space<hbm>> -> memref<64xi32, #tpu.memory_space<hbm>>
      %dma_wait3A_48 = tpu.memref_slice %arg4[%mul3A_32] : memref<2048xi32, #tpu.memory_space<hbm>> -> memref<64xi32, #tpu.memory_space<hbm>>
      tpu.wait_dma2 semaphore(%run_scoped3A : memref<!tpu.dma_semaphore, #tpu.memory_space<semaphore_mem>>) src(%dma_wait3A_48 : memref<64xi32, #tpu.memory_space<hbm>>) dst(%arg14 : memref<64xi32, #tpu.memory_space<vmem>>)
      tpu.yield
    }) : () -> ()
    %dma_start3A_33 = arith.constant 0 : i32
    %dma_start3A_34 = arith.constant 0 : i32
    %dma_start3A_35 = tpu.memref_slice %arg11[%dma_start3A_33, %dma_start3A_34] : memref<128x128xf32, #tpu.memory_space<vmem>> -> memref<64x128xf32, #tpu.memory_space<vmem>>
    %dma_start3A_36 = arith.constant 0 : i32
    %dma_start3A_37 = arith.constant 0 : i32
    %dma_start3A_38 = tpu.memref_slice %arg5[%dma_start3A_36, %dma_start3A_37] : memref<10000x128xf32, #tpu.memory_space<hbm>> -> memref<10000x128xf32, #tpu.memory_space<hbm>>
    tpu.enqueue_indirect_dma source(%dma_start3A_38 : memref<10000x128xf32, #tpu.memory_space<hbm>>) target(%dma_start3A_35 : memref<64x128xf32, #tpu.memory_space<vmem>>) offsets(%arg14 : memref<64xi32, #tpu.memory_space<vmem>>) semaphore(%arg19 : memref<!tpu.dma_semaphore, #tpu.memory_space<semaphore_mem>>)
    %dma_wait3A_39 = arith.constant 0 : i32
    %dma_wait3A_40 = arith.constant 0 : i32
    %dma_wait3A_41 = tpu.memref_slice %arg11[%dma_wait3A_39, %dma_wait3A_40] : memref<128x128xf32, #tpu.memory_space<vmem>> -> memref<64x128xf32, #tpu.memory_space<vmem>>
    %dma_wait3A_42 = arith.constant 0 : i32
    %dma_wait3A_43 = arith.constant 0 : i32
    %dma_wait3A_44 = tpu.memref_slice %arg5[%dma_wait3A_42, %dma_wait3A_43] : memref<10000x128xf32, #tpu.memory_space<hbm>> -> memref<10000x128xf32, #tpu.memory_space<hbm>>
    tpu.wait_indirect_dma semaphore(%arg19 : memref<!tpu.dma_semaphore, #tpu.memory_space<semaphore_mem>>) src(%dma_wait3A_44 : memref<10000x128xf32, #tpu.memory_space<hbm>>) dst(%dma_wait3A_41 : memref<64x128xf32, #tpu.memory_space<vmem>>)
    "tpu.region"() ({
      %run_scoped3A = tpu.sem_alloc : memref<!tpu.dma_semaphore, #tpu.memory_space<semaphore_mem>>
      %dma_start3A_45 = arith.constant 0 : i32
      %dma_start3A_46 = arith.constant 0 : i32
      %dma_start3A_47 = tpu.memref_slice %arg11[%dma_start3A_45, %dma_start3A_46] : memref<128x128xf32, #tpu.memory_space<vmem>> -> memref<64x128xf32, #tpu.memory_space<vmem>>
      %dma_start3A_48 = arith.constant 0 : i32
      %dma_start3A_49 = tpu.memref_slice %arg7[%mul3A_32, %dma_start3A_48] : memref<2048x128xf32, #tpu.memory_space<hbm>> -> memref<64x128xf32, #tpu.memory_space<hbm>>
      %dma_start3A_50 = arith.constant 0 : i32
      %dma_start3A_51 = tpu.memref_slice %arg7[%mul3A_32, %dma_start3A_50] : memref<2048x128xf32, #tpu.memory_space<hbm>> -> memref<64x128xf32, #tpu.memory_space<hbm>>
      %dma_start3A_52 = arith.constant 0 : i32
      %dma_start3A_53 = arith.constant 0 : i32
      %dma_start3A_54 = tpu.memref_slice %arg11[%dma_start3A_52, %dma_start3A_53] : memref<128x128xf32, #tpu.memory_space<vmem>> -> memref<64x128xf32, #tpu.memory_space<vmem>>
      tpu.enqueue_dma source(%dma_start3A_54 : memref<64x128xf32, #tpu.memory_space<vmem>>) target(%dma_start3A_51 : memref<64x128xf32, #tpu.memory_space<hbm>>) target_semaphore(%run_scoped3A : memref<!tpu.dma_semaphore, #tpu.memory_space<semaphore_mem>>)
      %dma_wait3A_55 = arith.constant 0 : i32
      %dma_wait3A_56 = arith.constant 0 : i32
      %dma_wait3A_57 = tpu.memref_slice %arg11[%dma_wait3A_55, %dma_wait3A_56] : memref<128x128xf32, #tpu.memory_space<vmem>> -> memref<64x128xf32, #tpu.memory_space<vmem>>
      %dma_wait3A_58 = arith.constant 0 : i32
      %dma_wait3A_59 = tpu.memref_slice %arg7[%mul3A_32, %dma_wait3A_58] : memref<2048x128xf32, #tpu.memory_space<hbm>> -> memref<64x128xf32, #tpu.memory_space<hbm>>
      %dma_wait3A_60 = arith.constant 0 : i32
      %dma_wait3A_61 = tpu.memref_slice %arg7[%mul3A_32, %dma_wait3A_60] : memref<2048x128xf32, #tpu.memory_space<hbm>> -> memref<64x128xf32, #tpu.memory_space<hbm>>
      %dma_wait3A_62 = arith.constant 0 : i32
      %dma_wait3A_63 = arith.constant 0 : i32
      %dma_wait3A_64 = tpu.memref_slice %arg11[%dma_wait3A_62, %dma_wait3A_63] : memref<128x128xf32, #tpu.memory_space<vmem>> -> memref<64x128xf32, #tpu.memory_space<vmem>>
      tpu.wait_dma2 semaphore(%run_scoped3A : memref<!tpu.dma_semaphore, #tpu.memory_space<semaphore_mem>>) src(%dma_wait3A_64 : memref<64x128xf32, #tpu.memory_space<vmem>>) dst(%dma_wait3A_61 : memref<64x128xf32, #tpu.memory_space<hbm>>)
      tpu.yield
    }) : () -> ()
    return
  }
}

module attributes {stable_mosaic.version = 14 : i64} {
  func.func @_rel_transform_body(%arg0: i32, %arg1: memref<1000x128xf32, #tpu.memory_space<vmem>>, %arg2: memref<8x128x128xf32, #tpu.memory_space<vmem>>, %arg3: memref<8x1000x128xf32, #tpu.memory_space<vmem>>) attributes {dimension_semantics = [#tpu.dimension_semantics<arbitrary>], iteration_bounds = array<i64: 10>, scalar_prefetch = 0 : i64, scratch_operands = 0 : i64, tpu.core_type = #tpu.core_type<tc>, window_params = [{transform_indices = @transform_0, window_bounds = array<i64: 1000, 128>}, {pipeline_mode = #tpu.pipeline_mode<synchronous>, transform_indices = @transform_1, window_bounds = array<i64: 8, 128, 128>}, {transform_indices = @transform_2, window_bounds = array<i64: 8, 1000, 128>}]} {
    %get3A = arith.constant 0 : index
    %get3A_0 = arith.constant 0 : index
    %get3A_1 = vector.load %arg1[%get3A, %get3A_0] : memref<1000x128xf32, #tpu.memory_space<vmem>>, vector<1000x128xf32>
    %get3A_2 = arith.constant 0 : index
    %get3A_3 = arith.constant 0 : index
    %get3A_4 = arith.constant 0 : index
    %get3A_5 = vector.load %arg2[%get3A_2, %get3A_3, %get3A_4] : memref<8x128x128xf32, #tpu.memory_space<vmem>>, vector<1x128x128xf32>
    %get3A_6 = vector.shape_cast %get3A_5 : vector<1x128x128xf32> to vector<128x128xf32>
    %dot_general3A = arith.constant dense<0.000000e+00> : vector<1000x128xf32>
    %dot_general3A_7 = tpu.matmul %get3A_1, %get3A_6, %dot_general3A {dimension_numbers = #tpu.dot_dimension_numbers<[1], [0], [0], [1], [0, 0, 1, 1], [], []>, transpose_lhs_hint = false} : vector<1000x128xf32>, vector<128x128xf32>, vector<1000x128xf32> -> vector<1000x128xf32>
    %swap3A = arith.constant 0 : index
    %swap3A_8 = arith.constant 0 : index
    %swap3A_9 = arith.constant 0 : index
    %swap3A_10 = vector.load %arg3[%swap3A, %swap3A_8, %swap3A_9] : memref<8x1000x128xf32, #tpu.memory_space<vmem>>, vector<1x1000x128xf32>
    %swap3A_11 = vector.shape_cast %swap3A_10 : vector<1x1000x128xf32> to vector<1000x128xf32>
    %swap3A_12 = vector.shape_cast %dot_general3A_7 : vector<1000x128xf32> to vector<1x1000x128xf32>
    tpu.vector_store %arg3[%swap3A, %swap3A_8, %swap3A_9], %swap3A_12 {strides = array<i32>} : memref<8x1000x128xf32, #tpu.memory_space<vmem>>, vector<1x1000x128xf32>,
    %get3A_13 = arith.constant 1 : index
    %get3A_14 = arith.constant 0 : index
    %get3A_15 = arith.constant 0 : index
    %get3A_16 = vector.load %arg2[%get3A_13, %get3A_14, %get3A_15] : memref<8x128x128xf32, #tpu.memory_space<vmem>>, vector<1x128x128xf32>
    %get3A_17 = vector.shape_cast %get3A_16 : vector<1x128x128xf32> to vector<128x128xf32>
    %dot_general3A_18 = arith.constant dense<0.000000e+00> : vector<1000x128xf32>
    %dot_general3A_19 = tpu.matmul %get3A_1, %get3A_17, %dot_general3A_18 {dimension_numbers = #tpu.dot_dimension_numbers<[1], [0], [0], [1], [0, 0, 1, 1], [], []>, transpose_lhs_hint = false} : vector<1000x128xf32>, vector<128x128xf32>, vector<1000x128xf32> -> vector<1000x128xf32>
    %swap3A_20 = arith.constant 1 : index
    %swap3A_21 = arith.constant 0 : index
    %swap3A_22 = arith.constant 0 : index
    %swap3A_23 = vector.load %arg3[%swap3A_20, %swap3A_21, %swap3A_22] : memref<8x1000x128xf32, #tpu.memory_space<vmem>>, vector<1x1000x128xf32>
    %swap3A_24 = vector.shape_cast %swap3A_23 : vector<1x1000x128xf32> to vector<1000x128xf32>
    %swap3A_25 = vector.shape_cast %dot_general3A_19 : vector<1000x128xf32> to vector<1x1000x128xf32>
    tpu.vector_store %arg3[%swap3A_20, %swap3A_21, %swap3A_22], %swap3A_25 {strides = array<i32>} : memref<8x1000x128xf32, #tpu.memory_space<vmem>>, vector<1x1000x128xf32>,
    %get3A_26 = arith.constant 2 : index
    %get3A_27 = arith.constant 0 : index
    %get3A_28 = arith.constant 0 : index
    %get3A_29 = vector.load %arg2[%get3A_26, %get3A_27, %get3A_28] : memref<8x128x128xf32, #tpu.memory_space<vmem>>, vector<1x128x128xf32>
    %get3A_30 = vector.shape_cast %get3A_29 : vector<1x128x128xf32> to vector<128x128xf32>
    %dot_general3A_31 = arith.constant dense<0.000000e+00> : vector<1000x128xf32>
    %dot_general3A_32 = tpu.matmul %get3A_1, %get3A_30, %dot_general3A_31 {dimension_numbers = #tpu.dot_dimension_numbers<[1], [0], [0], [1], [0, 0, 1, 1], [], []>, transpose_lhs_hint = false} : vector<1000x128xf32>, vector<128x128xf32>, vector<1000x128xf32> -> vector<1000x128xf32>
    %swap3A_33 = arith.constant 2 : index
    %swap3A_34 = arith.constant 0 : index
    %swap3A_35 = arith.constant 0 : index
    %swap3A_36 = vector.load %arg3[%swap3A_33, %swap3A_34, %swap3A_35] : memref<8x1000x128xf32, #tpu.memory_space<vmem>>, vector<1x1000x128xf32>
    %swap3A_37 = vector.shape_cast %swap3A_36 : vector<1x1000x128xf32> to vector<1000x128xf32>
    %swap3A_38 = vector.shape_cast %dot_general3A_32 : vector<1000x128xf32> to vector<1x1000x128xf32>
    tpu.vector_store %arg3[%swap3A_33, %swap3A_34, %swap3A_35], %swap3A_38 {strides = array<i32>} : memref<8x1000x128xf32, #tpu.memory_space<vmem>>, vector<1x1000x128xf32>,
    %get3A_39 = arith.constant 3 : index
    %get3A_40 = arith.constant 0 : index
    %get3A_41 = arith.constant 0 : index
    %get3A_42 = vector.load %arg2[%get3A_39, %get3A_40, %get3A_41] : memref<8x128x128xf32, #tpu.memory_space<vmem>>, vector<1x128x128xf32>
    %get3A_43 = vector.shape_cast %get3A_42 : vector<1x128x128xf32> to vector<128x128xf32>
    %dot_general3A_44 = arith.constant dense<0.000000e+00> : vector<1000x128xf32>
    %dot_general3A_45 = tpu.matmul %get3A_1, %get3A_43, %dot_general3A_44 {dimension_numbers = #tpu.dot_dimension_numbers<[1], [0], [0], [1], [0, 0, 1, 1], [], []>, transpose_lhs_hint = false} : vector<1000x128xf32>, vector<128x128xf32>, vector<1000x128xf32> -> vector<1000x128xf32>
    %swap3A_46 = arith.constant 3 : index
    %swap3A_47 = arith.constant 0 : index
    %swap3A_48 = arith.constant 0 : index
    %swap3A_49 = vector.load %arg3[%swap3A_46, %swap3A_47, %swap3A_48] : memref<8x1000x128xf32, #tpu.memory_space<vmem>>, vector<1x1000x128xf32>
    %swap3A_50 = vector.shape_cast %swap3A_49 : vector<1x1000x128xf32> to vector<1000x128xf32>
    %swap3A_51 = vector.shape_cast %dot_general3A_45 : vector<1000x128xf32> to vector<1x1000x128xf32>
    tpu.vector_store %arg3[%swap3A_46, %swap3A_47, %swap3A_48], %swap3A_51 {strides = array<i32>} : memref<8x1000x128xf32, #tpu.memory_space<vmem>>, vector<1x1000x128xf32>,
    %get3A_52 = arith.constant 4 : index
    %get3A_53 = arith.constant 0 : index
    %get3A_54 = arith.constant 0 : index
    %get3A_55 = vector.load %arg2[%get3A_52, %get3A_53, %get3A_54] : memref<8x128x128xf32, #tpu.memory_space<vmem>>, vector<1x128x128xf32>
    %get3A_56 = vector.shape_cast %get3A_55 : vector<1x128x128xf32> to vector<128x128xf32>
    %dot_general3A_57 = arith.constant dense<0.000000e+00> : vector<1000x128xf32>
    %dot_general3A_58 = tpu.matmul %get3A_1, %get3A_56, %dot_general3A_57 {dimension_numbers = #tpu.dot_dimension_numbers<[1], [0], [0], [1], [0, 0, 1, 1], [], []>, transpose_lhs_hint = false} : vector<1000x128xf32>, vector<128x128xf32>, vector<1000x128xf32> -> vector<1000x128xf32>
    %swap3A_59 = arith.constant 4 : index
    %swap3A_60 = arith.constant 0 : index
    %swap3A_61 = arith.constant 0 : index
    %swap3A_62 = vector.load %arg3[%swap3A_59, %swap3A_60, %swap3A_61] : memref<8x1000x128xf32, #tpu.memory_space<vmem>>, vector<1x1000x128xf32>
    %swap3A_63 = vector.shape_cast %swap3A_62 : vector<1x1000x128xf32> to vector<1000x128xf32>
    %swap3A_64 = vector.shape_cast %dot_general3A_58 : vector<1000x128xf32> to vector<1x1000x128xf32>
    tpu.vector_store %arg3[%swap3A_59, %swap3A_60, %swap3A_61], %swap3A_64 {strides = array<i32>} : memref<8x1000x128xf32, #tpu.memory_space<vmem>>, vector<1x1000x128xf32>,
    %get3A_65 = arith.constant 5 : index
    %get3A_66 = arith.constant 0 : index
    %get3A_67 = arith.constant 0 : index
    %get3A_68 = vector.load %arg2[%get3A_65, %get3A_66, %get3A_67] : memref<8x128x128xf32, #tpu.memory_space<vmem>>, vector<1x128x128xf32>
    %get3A_69 = vector.shape_cast %get3A_68 : vector<1x128x128xf32> to vector<128x128xf32>
    %dot_general3A_70 = arith.constant dense<0.000000e+00> : vector<1000x128xf32>
    %dot_general3A_71 = tpu.matmul %get3A_1, %get3A_69, %dot_general3A_70 {dimension_numbers = #tpu.dot_dimension_numbers<[1], [0], [0], [1], [0, 0, 1, 1], [], []>, transpose_lhs_hint = false} : vector<1000x128xf32>, vector<128x128xf32>, vector<1000x128xf32> -> vector<1000x128xf32>
    %swap3A_72 = arith.constant 5 : index
    %swap3A_73 = arith.constant 0 : index
    %swap3A_74 = arith.constant 0 : index
    %swap3A_75 = vector.load %arg3[%swap3A_72, %swap3A_73, %swap3A_74] : memref<8x1000x128xf32, #tpu.memory_space<vmem>>, vector<1x1000x128xf32>
    %swap3A_76 = vector.shape_cast %swap3A_75 : vector<1x1000x128xf32> to vector<1000x128xf32>
    %swap3A_77 = vector.shape_cast %dot_general3A_71 : vector<1000x128xf32> to vector<1x1000x128xf32>
    tpu.vector_store %arg3[%swap3A_72, %swap3A_73, %swap3A_74], %swap3A_77 {strides = array<i32>} : memref<8x1000x128xf32, #tpu.memory_space<vmem>>, vector<1x1000x128xf32>,
    %get3A_78 = arith.constant 6 : index
    %get3A_79 = arith.constant 0 : index
    %get3A_80 = arith.constant 0 : index
    %get3A_81 = vector.load %arg2[%get3A_78, %get3A_79, %get3A_80] : memref<8x128x128xf32, #tpu.memory_space<vmem>>, vector<1x128x128xf32>
    %get3A_82 = vector.shape_cast %get3A_81 : vector<1x128x128xf32> to vector<128x128xf32>
    %dot_general3A_83 = arith.constant dense<0.000000e+00> : vector<1000x128xf32>
    %dot_general3A_84 = tpu.matmul %get3A_1, %get3A_82, %dot_general3A_83 {dimension_numbers = #tpu.dot_dimension_numbers<[1], [0], [0], [1], [0, 0, 1, 1], [], []>, transpose_lhs_hint = false} : vector<1000x128xf32>, vector<128x128xf32>, vector<1000x128xf32> -> vector<1000x128xf32>
    %swap3A_85 = arith.constant 6 : index
    %swap3A_86 = arith.constant 0 : index
    %swap3A_87 = arith.constant 0 : index
    %swap3A_88 = vector.load %arg3[%swap3A_85, %swap3A_86, %swap3A_87] : memref<8x1000x128xf32, #tpu.memory_space<vmem>>, vector<1x1000x128xf32>
    %swap3A_89 = vector.shape_cast %swap3A_88 : vector<1x1000x128xf32> to vector<1000x128xf32>
    %swap3A_90 = vector.shape_cast %dot_general3A_84 : vector<1000x128xf32> to vector<1x1000x128xf32>
    tpu.vector_store %arg3[%swap3A_85, %swap3A_86, %swap3A_87], %swap3A_90 {strides = array<i32>} : memref<8x1000x128xf32, #tpu.memory_space<vmem>>, vector<1x1000x128xf32>,
    %get3A_91 = arith.constant 7 : index
    %get3A_92 = arith.constant 0 : index
    %get3A_93 = arith.constant 0 : index
    %get3A_94 = vector.load %arg2[%get3A_91, %get3A_92, %get3A_93] : memref<8x128x128xf32, #tpu.memory_space<vmem>>, vector<1x128x128xf32>
    %get3A_95 = vector.shape_cast %get3A_94 : vector<1x128x128xf32> to vector<128x128xf32>
    %dot_general3A_96 = arith.constant dense<0.000000e+00> : vector<1000x128xf32>
    %dot_general3A_97 = tpu.matmul %get3A_1, %get3A_95, %dot_general3A_96 {dimension_numbers = #tpu.dot_dimension_numbers<[1], [0], [0], [1], [0, 0, 1, 1], [], []>, transpose_lhs_hint = false} : vector<1000x128xf32>, vector<128x128xf32>, vector<1000x128xf32> -> vector<1000x128xf32>
    %swap3A_98 = arith.constant 7 : index
    %swap3A_99 = arith.constant 0 : index
    %swap3A_100 = arith.constant 0 : index
    %swap3A_101 = vector.load %arg3[%swap3A_98, %swap3A_99, %swap3A_100] : memref<8x1000x128xf32, #tpu.memory_space<vmem>>, vector<1x1000x128xf32>
    %swap3A_102 = vector.shape_cast %swap3A_101 : vector<1x1000x128xf32> to vector<1000x128xf32>
    %swap3A_103 = vector.shape_cast %dot_general3A_97 : vector<1000x128xf32> to vector<1x1000x128xf32>
    tpu.vector_store %arg3[%swap3A_98, %swap3A_99, %swap3A_100], %swap3A_103 {strides = array<i32>} : memref<8x1000x128xf32, #tpu.memory_space<vmem>>, vector<1x1000x128xf32>,
    return
  }
  func.func @transform_0(%arg0: i32) -> (i32, i32) {
    %c0_i32 = arith.constant 0 : i32
    %c0_i32_0 = arith.constant 0 : i32
    return %arg0, %c0_i32 : i32, i32
  }
  func.func @transform_1(%arg0: i32) -> (i32, i32, i32) {
    %c0_i32 = arith.constant 0 : i32
    %c0_i32_0 = arith.constant 0 : i32
    %c0_i32_1 = arith.constant 0 : i32
    %c0_i32_2 = arith.constant 0 : i32
    return %c0_i32, %c0_i32_0, %c0_i32_1 : i32, i32, i32
  }
  func.func @transform_2(%arg0: i32) -> (i32, i32, i32) {
    %c0_i32 = arith.constant 0 : i32
    %c0_i32_0 = arith.constant 0 : i32
    %c0_i32_1 = arith.constant 0 : i32
    return %c0_i32, %arg0, %c0_i32_0 : i32, i32, i32
  }
}

module attributes {stable_mosaic.version = 14 : i64} {
  func.func @_head_body(%arg0: memref<2x2048x128xf32, #tpu.memory_space<vmem>>, %arg1: memref<2048x128xf32, #tpu.memory_space<vmem>>, %arg2: memref<128x128xf32, #tpu.memory_space<vmem>>, %arg3: memref<1x128xf32, #tpu.memory_space<vmem>>, %arg4: memref<256x256xf32, #tpu.memory_space<vmem>>, %arg5: memref<1x256xf32, #tpu.memory_space<vmem>>, %arg6: memref<1024x256xf32, #tpu.memory_space<vmem>>) attributes {dimension_semantics = [], scalar_prefetch = 0 : i64, scratch_operands = 0 : i64, tpu.core_type = #tpu.core_type<tc>} {
    %get3A = arith.constant 0 : index
    %get3A_0 = arith.constant 0 : index
    %get3A_1 = arith.constant 0 : index
    %get3A_2 = vector.load %arg0[%get3A, %get3A_0, %get3A_1] : memref<2x2048x128xf32, #tpu.memory_space<vmem>>, vector<1x2048x128xf32>
    %get3A_3 = vector.shape_cast %get3A_2 : vector<1x2048x128xf32> to vector<2048x128xf32>
    %get3A_4 = arith.constant 1 : index
    %get3A_5 = arith.constant 0 : index
    %get3A_6 = arith.constant 0 : index
    %get3A_7 = vector.load %arg0[%get3A_4, %get3A_5, %get3A_6] : memref<2x2048x128xf32, #tpu.memory_space<vmem>>, vector<1x2048x128xf32>
    %get3A_8 = vector.shape_cast %get3A_7 : vector<1x2048x128xf32> to vector<2048x128xf32>
    %add3A = arith.addf %get3A_3, %get3A_8 : vector<2048x128xf32>
    %get3A_9 = arith.constant 0 : index
    %get3A_10 = arith.constant 0 : index
    %get3A_11 = vector.load %arg1[%get3A_9, %get3A_10] : memref<2048x128xf32, #tpu.memory_space<vmem>>, vector<2048x128xf32>
    %get3A_12 = arith.constant 0 : index
    %get3A_13 = arith.constant 0 : index
    %get3A_14 = vector.load %arg2[%get3A_12, %get3A_13] : memref<128x128xf32, #tpu.memory_space<vmem>>, vector<128x128xf32>
    %dot_general3A = arith.constant dense<0.000000e+00> : vector<2048x128xf32>
    %dot_general3A_15 = tpu.matmul %get3A_11, %get3A_14, %dot_general3A {dimension_numbers = #tpu.dot_dimension_numbers<[1], [0], [0], [1], [0, 0, 1, 1], [], []>, transpose_lhs_hint = false} : vector<2048x128xf32>, vector<128x128xf32>, vector<2048x128xf32> -> vector<2048x128xf32>
    %add3A_16 = arith.addf %add3A, %dot_general3A_15 : vector<2048x128xf32>
    %get3A_17 = arith.constant 0 : index
    %get3A_18 = arith.constant 0 : index
    %get3A_19 = vector.load %arg3[%get3A_17, %get3A_18] : memref<1x128xf32, #tpu.memory_space<vmem>>, vector<1x128xf32>
    %add3A_20 = vector.broadcast %get3A_19 : vector<1x128xf32> to vector<2048x128xf32>
    %add3A_21 = arith.addf %add3A_16, %add3A_20 : vector<2048x128xf32>
    %max3A = arith.constant 0.000000e+00 : f32
    %max3A_22 = vector.broadcast %max3A : f32 to vector<2048x128xf32>
    %max3A_23 = arith.maximumf %add3A_21, %max3A_22 : vector<2048x128xf32>
    %slice3A = vector.extract_strided_slice %max3A_23 {offsets = [0, 0], sizes = [1024, 128], strides = [1, 1]} : vector<2048x128xf32> to vector<1024x128xf32>
    %get3A_24 = arith.constant 0 : index
    %get3A_25 = arith.constant 0 : index
    %get3A_26 = vector.load %arg4[%get3A_24, %get3A_25] : memref<256x256xf32, #tpu.memory_space<vmem>>, vector<128x256xf32>
    %dot_general3A_27 = arith.constant dense<0.000000e+00> : vector<1024x256xf32>
    %dot_general3A_28 = tpu.matmul %slice3A, %get3A_26, %dot_general3A_27 {dimension_numbers = #tpu.dot_dimension_numbers<[1], [0], [0], [1], [0, 0, 1, 1], [], []>, transpose_lhs_hint = false} : vector<1024x128xf32>, vector<128x256xf32>, vector<1024x256xf32> -> vector<1024x256xf32>
    %slice3A_29 = vector.extract_strided_slice %max3A_23 {offsets = [1024, 0], sizes = [1024, 128], strides = [1, 1]} : vector<2048x128xf32> to vector<1024x128xf32>
    %get3A_30 = arith.constant 128 : index
    %get3A_31 = arith.constant 0 : index
    %get3A_32 = vector.load %arg4[%get3A_30, %get3A_31] : memref<256x256xf32, #tpu.memory_space<vmem>>, vector<128x256xf32>
    %dot_general3A_33 = arith.constant dense<0.000000e+00> : vector<1024x256xf32>
    %dot_general3A_34 = tpu.matmul %slice3A_29, %get3A_32, %dot_general3A_33 {dimension_numbers = #tpu.dot_dimension_numbers<[1], [0], [0], [1], [0, 0, 1, 1], [], []>, transpose_lhs_hint = false} : vector<1024x128xf32>, vector<128x256xf32>, vector<1024x256xf32> -> vector<1024x256xf32>
    %add3A_35 = arith.addf %dot_general3A_28, %dot_general3A_34 : vector<1024x256xf32>
    %get3A_36 = arith.constant 0 : index
    %get3A_37 = arith.constant 0 : index
    %get3A_38 = vector.load %arg5[%get3A_36, %get3A_37] : memref<1x256xf32, #tpu.memory_space<vmem>>, vector<1x256xf32>
    %add3A_39 = vector.broadcast %get3A_38 : vector<1x256xf32> to vector<1024x256xf32>
    %add3A_40 = arith.addf %add3A_35, %add3A_39 : vector<1024x256xf32>
    %max3A_41 = arith.constant 0.000000e+00 : f32
    %max3A_42 = vector.broadcast %max3A_41 : f32 to vector<1024x256xf32>
    %max3A_43 = arith.maximumf %add3A_40, %max3A_42 : vector<1024x256xf32>
    %swap3A = arith.constant 0 : index
    %swap3A_44 = arith.constant 0 : index
    %swap3A_45 = vector.load %arg6[%swap3A, %swap3A_44] : memref<1024x256xf32, #tpu.memory_space<vmem>>, vector<1024x256xf32>
    tpu.vector_store %arg6[%swap3A, %swap3A_44], %max3A_43 {strides = array<i32>} : memref<1024x256xf32, #tpu.memory_space<vmem>>, vector<1024x256xf32>,
    return
  }
}

</mosaic_0001>

<sc_bundles>
// kernel: kernel.5.cloned.1.call-start
scs
__scs_entry_jumppad:
0x0: {  	(pc) =	sbr.rel $0x88, $3  }
0x1: {  	(tag) =	ssettag $0x0;
	lr =	simm.s32 $0x1  }
0x2: {  	[smem:$0x3F97] =	sst lr;
	_ =	strace $0xD0000000  }
0x3: {  	_ = 	snop  }
0x4: {  	_ = 	snop  }
0x5: {  	_ = 	snop  }
0x6: {  	_ = 	snop  }
0x7: {  	_ = 	snop  }
__scs_overlays_trampoline_lowered:
0x8: {  	[smem:$0x3FA6] =	sst s0  }
0x9: {  	[smem:$0x3FA7] =	sst s1  }
0xa: {  	[smem:$0x3FA8] =	sst s2  }
0xb: {  	[smem:$0x3FA9] =	sst s3  }
0xc: {  	[smem:$0x3FAA] =	sst s4  }
0xd: {  	[smem:$0x3FAB] =	sst s5  }
0xe: {  	[smem:$0x3FAC] =	sst s6  }
0xf: {  	[smem:$0x3FAD] =	sst s7  }
0x10: {  	[smem:$0x3FAE] =	sst s8  }
0x11: {  	[smem:$0x3FAF] =	sst s9;
	s0 =	simm.s32 @!p0 $0x0  }
0x12: {  	s1 =	sld [smem:$0x3F95];
	s0 =	simm.s32 @p0 $0x1  }
0x13: {  	[smem:$0x3FB0] =	sst s0;
	s0 =	simm.s32 @!p1 $0x0  }
0x14: {  	s2 =	sld [smem:$0x3F94];
	s0 =	simm.s32 @p1 $0x1  }
0x15: {  	[smem:$0x3FB1] =	sst s0;
	s0 =	simm.s32 @!p2 $0x0  }
0x16: {  	s3 =	sld [smem:$0x3FDB];
	s0 =	simm.s32 @p2 $0x1  }
0x17: {  	s4 =	simm.s32 $0x1BF5;
	[smem:$0x3FB3] =	sst s0  }
0x18: {  	s0 =	sld [smem:$0x3F96];
	_ =	swait.ge [sflag:s4], $0x0  }
0x19: {  	s7 =	sld [smem:$0x3F97]  }
0x1a: {  	s8 =	sadd.s32 $0xFFFFE003, lr  }
0x1b: {  	s9 =	sadd.s32 $0xFFFFFEF7, lr;
	s5 =	simm.s32 $0xFFFFFFFF;
	p2 =	slt.u32 s8, $0xFFFFF086  }
0x1c: {  	p1 =	slt.u32 s9, $0xF7A;
	s5 =	simm.s32 @!p2 $0x0  }
0x1d: {  	s5 =	simm.s32 @p1 $0x1;
	p0 =	seq.s32 s7, s2  }
0x1e: {  	s7 =	smul.u32 @!p0 $0xF7A, s2;
	p2 =	seq.s32 @!p0 s5, $0x0  }
0x1f: {  	s9 =	smul.u32 $0xF7A, s1;
	s8 =	simm.s32 @!p0 $0x1BF5;
	p2 =	por !p2, p0  }
0x20: {  	[sflag:s8] =	ssyncset.s32 @!p0 $0xFFFFF086;
	s6 =	sadd.s32 @!p0 s3, s7;
	s7 =	simm.s32 @!p0 $0x108  }
0x21: {  	s3 =	sadd.s32 s3, s9;
	s6 =	sadd.s32 @!p0 $0x88, s6;
	s7 =	simm.s32 @p2 $0x1082  }
0x22: {  	[simem:s7], [sflag:s8] =	dma.local @!p0 [hbm:s6], $0xF7A  }
0x23: {  	s9 =	sor.u32 $0xD0000000, s2;
	s6 =	simm.s32 $0x108;
	_ =	swait.ge @!p0 [sflag:s8], $0x0  }
0x24: {  	s3 =	sadd.s32 $0x88, s3;
	s6 =	simm.s32 @!p1 $0x1082;
	[sflag:s4] =	ssyncset.s32 $0xFFFFF086  }
0x25: {  	[simem:s6], [sflag:s4] =	dma.local [hbm:s3], $0xF7A  }
0x26: {  	[smem:$0x3F97] =	sst s1;
	(tag) =	ssettag s2;
	_ =	strace s9  }
0x27: {  	s1 =	sld [smem:$0x3FA7]  }
0x28: {  	s2 =	sld [smem:$0x3FA8]  }
0x29: {  	s4 =	sld [smem:$0x3FAA]  }
0x2a: {  	p0 =	seq.s32 s5, $0x0;
	s5 =	sld [smem:$0x3FAB]  }
0x2b: {  	s6 =	sld [smem:$0x3FAC]  }
0x2c: {  	s7 =	sld [smem:$0x3FAD]  }
0x2d: {  	s3 =	simm.s32 $0x108;
	s8 =	sld [smem:$0x3FAE]  }
0x2e: {  	s3 =	simm.s32 @!p0 $0x1082;
	s9 =	sld [smem:$0x3FAF]  }
0x2f: {  	lr =	sadd.s32 s0, s3;
	s0 =	sld [smem:$0x3FA6]  }
0x30: {  	s3 =	sld [smem:$0x3FA9]  }
0x31: {  	[smem:$0x3FB2] =	sst s10  }
0x32: {  	s10 =	sld [smem:$0x3FB0];
	_ =	sdelay $0x3  }
0x33: {  	p0 =	seq.s32 s10, $0x1;
	s10 =	sld [smem:$0x3FB2];
	_ =	sdelay $0x3  }
0x34: {  	[smem:$0x3FB2] =	sst s10  }
0x35: {  	s10 =	sld [smem:$0x3FB1];
	_ =	sdelay $0x3  }
0x36: {  	p1 =	seq.s32 s10, $0x1;
	s10 =	sld [smem:$0x3FB2];
	_ =	sdelay $0x3  }
0x37: {  	[smem:$0x3FB2] =	sst s10  }
0x38: {  	s10 =	sld [smem:$0x3FB3]  }
0x39: {  	_ = 	snop;
	(pc) =	sbr.ind lr, $3  }
0x3a: {  	_ = 	snop  }
0x3b: {  	_ = 	snop  }
0x3c: {  	p2 =	seq.s32 s10, $0x1;
	s10 =	sld [smem:$0x3FB2]  }
0x3d: {  	_ =	shalt  }
0x3e: {  	_ =	shalt  }
0x3f: {  	_ =	shalt  }
0x40: {  	_ =	shalt  }
0x41: {  	_ =	shalt  }
0x42: {  	_ =	shalt  }
0x43: {  	_ =	shalt  }
0x44: {  	_ =	shalt  }
0x45: {  	_ =	shalt  }
0x46: {  	_ =	shalt  }
0x47: {  	_ =	shalt  }
0x48: {  	_ =	shalt  }
0x49: {  	_ =	shalt  }
0x4a: {  	_ =	shalt  }
0x4b: {  	_ =	shalt  }
0x4c: {  	_ =	shalt  }
0x4d: {  	_ =	shalt  }
0x4e: {  	_ =	shalt  }
0x4f: {  	_ =	shalt  }
0x50: {  	_ =	shalt  }
0x51: {  	_ =	shalt  }
0x52: {  	_ =	shalt  }
0x53: {  	_ =	shalt  }
0x54: {  	_ =	shalt  }
0x55: {  	_ =	shalt  }
0x56: {  	_ =	shalt  }
0x57: {  	_ =	shalt  }
0x58: {  	_ =	shalt  }
0x59: {  	_ =	shalt  }
0x5a: {  	_ =	shalt  }
0x5b: {  	_ =	shalt  }
0x5c: {  	_ =	shalt  }
0x5d: {  	_ =	shalt  }
0x5e: {  	_ =	shalt  }
0x5f: {  	_ =	shalt  }
0x60: {  	_ =	shalt  }
0x61: {  	_ =	shalt  }
0x62: {  	_ =	shalt  }
0x63: {  	_ =	shalt  }
0x64: {  	_ =	shalt  }
0x65: {  	_ =	shalt  }
0x66: {  	_ =	shalt  }
0x67: {  	_ =	shalt  }
0x68: {  	_ =	shalt  }
0x69: {  	_ =	shalt  }
0x6a: {  	_ =	shalt  }
0x6b: {  	_ =	shalt  }
0x6c: {  	_ =	shalt  }
0x6d: {  	_ =	shalt  }
0x6e: {  	_ =	shalt  }
0x6f: {  	_ =	shalt  }
0x70: {  	_ =	shalt  }
0x71: {  	_ =	shalt  }
0x72: {  	_ =	shalt  }
0x73: {  	_ =	shalt  }
0x74: {  	_ =	shalt  }
0x75: {  	_ =	shalt  }
0x76: {  	_ =	shalt  }
0x77: {  	_ =	shalt  }
0x78: {  	_ =	shalt  }
0x79: {  	_ =	shalt  }
0x7a: {  	_ =	shalt  }
0x7b: {  	_ =	shalt  }
0x7c: {  	_ =	shalt  }
0x7d: {  	_ =	shalt  }
0x7e: {  	_ =	shalt  }
0x7f: {  	_ =	shalt  }
0x80: {  	_ =	shalt  }
0x81: {  	_ =	shalt  }
0x82: {  	_ =	shalt  }
0x83: {  	_ =	shalt  }
0x84: {  	_ =	shalt  }
0x85: {  	_ =	shalt  }
0x86: {  	_ =	shalt  }
0x87: {  	_ =	shalt  }
.Lfunc_end0:
.L_simem_size_0:
called_computation_lowered:
.L_overlay_start_0:
0x88: {  	s2 =	sld [smem:$0x3FD9]  }
0x89: {  	s3 =	sld [smem:$0x3FFE];
	_ =	sdelay $0x1  }
0x8a: {  	s1 =	srdreg.scid  }
0x8b: {  	s0 =	sand.u32 $0x1, s1  }
0x8c: {  	s17 =	sshll.u32 s0, $0xA;
	s2 =	sadd.s32 s3, s2  }
0x8d: {  	s2 =	sadd.s32 s2, s17  }
0x8e: {  	[smem:$0x3FBE] =	sst s2  }
0x8f: {  	_ = 	snop  }
0x90: {  	s2 =	sld [smem:$0x3FC9]  }
0x91: {  	s18 =	sld [smem:$0x3FD0];
	(tm) =	ssettm $0x1  }
0x92: {  	s4 =	sld [smem:$0x3FFB];
	_ =	sdelay $0x3  }
0x93: {  	_ =	strace s4  }
0x94: {  	s4 =	sld [smem:$0x3FFC];
	_ =	sdelay $0x3  }
0x95: {  	_ =	strace s4  }
0x96: {  	s4 =	sld [smem:$0x3FFD];
	_ =	sdelay $0x3  }
0x97: {  	_ =	strace s4  }
0x98: {  	_ =	strace $0x8FFFFFFF  }
0x99: {  	s19 =	sld [smem:$0x3FDB];
	_ =	sdelay $0x1  }
0x9a: {  	s5 =	simm.s32 $_scs_section_size  }
0x9b: {  	s6 =	simm.s32 $_size__tile_overlayer_lowered;
	s7 =	simm.s32 $_tile_overlayer_lowered  }
0x9c: {  	s22 =	simm.s32 $0x1BFF;
	s21 =	sshll.u32 s7, $0x1;
	s4 =	sadd.s32 s5, s19  }
0x9d: {  	s8 =	simm.s32 $0x0;
	s20 =	sshll.u32 s6, $0x1;
	s6 =	sadd.s32 s21, s4  }
0x9e: {  	[timem:s8], [sflag:s22] =	dma.local [hbm:s6], s20  }
0x9f: {  	_ =	swait.ge [sflag:s22], s20  }
0xa0: {  	s5 =	ssub.s32 $0x0, s20;
	[sflag:s22] =	ssyncset.done $0x0  }
0xa1: {  	[sflag:s22] =	ssyncadd.s32 s5;
	_ =	sdelay $0x1  }
0xa2: {  	s23 =	simm.s32 $0x1B8B  }
0xa3: {  	_ =	swait.ge [sflag:s23], $0x1  }
0xa4: {  	[sflag:s23] =	ssyncset.done $0x0  }
0xa5: {  	s25 =	simm.s32 $0x1B8E;
	s24 =	sld [smem:$0x3FFE];
	[sflag:s23] =	ssyncadd.s32 $0xFFFFFFFF  }
0xa6: {  	s26 =	simm.s32 $execute0_lowered;
	[smem:$0x3FD2] =	sst s25  }
0xa7: {  	s6 =	sshll.u32 s26, $0x1;
	_ =	strace $0x80000046;
	[dreg:$0x1] =	wrdreg $0xFFFFFFFF  }
0xa8: {  	s28 =	simm.s32 $_size_execute0_lowered;
	s4 =	sadd.s32 s4, s6;
	[dreg:$0x0] =	wrdreg $0x0  }
0xa9: {  	s6 =	sshll.u32 s28, $0x1;
	[dreg:$0x2] =	wrdreg s4  }
0xaa: {  	[dreg:$0x3] =	wrdreg s6  }
0xab: {  	[dreg:$0x4] =	wrdreg $0xC0  }
0xac: {  	_ =	task [dreg:s8], $0x5FFFF  }
0xad: {  	[dreg:$0x1] =	wrdreg $0xFFFFFFFF  }
0xae: {  	[dreg:$0x0] =	wrdreg $0x60  }
0xaf: {  	[dreg:$0x2] =	wrdreg s24  }
0xb0: {  	[dreg:$0x3] =	wrdreg s2  }
0xb1: {  	[dreg:$0x4] =	wrdreg s18  }
0xb2: {  	[dreg:$0x5] =	wrdreg $0x0  }
0xb3: {  	[dreg:$0x6] =	wrdreg $0x9  }
0xb4: {  	_ =	task.clear_ibuf [dreg:s8], $0x7FFFF;
	_ =	strace $0x90000046  }
0xb5: {  	s29 =	simm.s32 $0x9;
	_ =	strace $0x80000048  }
0xb6: {  	_ =	swait.ge [sflag:s29], $0x1  }
0xb7: {  	[sflag:s29] =	ssyncadd.s32 $0xFFFFFFFF  }
0xb8: {  	_ =	strace $0x90000048  }
0xb9: {  	_ =	sfence  }
0xba: {  	s30 =	sld [smem:$0x0];
	_ =	sdelay $0x2  }
0xbb: {  	s31 =	sshll.u32 s1, $0xD;
	s1 =	sshrl.u32 s1, $0x2  }
0xbc: {  	s3 =	sand.u32 $0x4000, s31;
	s1 =	sadd.s32 s1, s30  }
0xbd: {  	s0 =	sor.u32 s3, s0;
	s1 =	sshll.u32 s1, $0x11  }
0xbe: {  	s0 =	sor.u32 s1, s0  }
0xbf: {  	s0 =	sadd.s32 $0x8F2B, s0  }
0xc0: {  	[sflag:s0] =	ssyncadd.remote.s32 $0x1  }
0xc1: {  	_ =	sfence.sel $0xFFFF  }
0xc2: {  	[dreg:$0x0] =	wrdreg $0xFFFFFFFF;
	(pc) =	sbr.abs _section_cstart, $3  }
0xc3: {  	[dreg:$0x1] =	wrdreg $0xFFFFFFFF  }
0xc4: {  	_ =	task.clear_ibuf [dreg:s8], $0x2FFFF;
	_ =	strace $0x9FFFFFFF  }
0xc5: {  	(tm) =	ssettm $0x7FFFFFFF  }
tec
execute0_lowered:
.L_overlay_start_1:
0x0: {  	(tag) =	ssettag $0x1  }
0x1: {  	s0 =	rddreg [dreg:$0x0]  }
0x2: {  	s1 =	rddreg [dreg:$0x2]  }
0x3: {  	s2 =	rddreg [dreg:$0x3];
	s3 =	simm.s32 $0x0;
	s14 =	stileid.u32  }
0x4: {  	s6 =	srdreg.scid;
	s28 =	simm.s32 $0x80;
	s29 =	simm.s32 $0x3  }
0x5: {  	s30 =	simm.s32 $0x2;
	s31 =	simm.s32 $0x18200;
	s7 =	smul.u32 $0x50000, s14  }
0x6: {  	[smem:$0x7FF] =	sst s3;
	s5 =	sadd.s32 $0x15800, s0;
	s11 =	smul.u32 $0xCC0, s14  }
0x7: {  	s4 =	sadd.s32 $0x1E00, s0;
	s9 =	sadd.s32 $0x1C00, s0;
	s15 =	smul.u32 $0x6E0, s14  }
0x8: {  	s8 =	sshll.u32 s14, $0xB;
	s10 =	sand.u32 $0x1, s6;
	s13 =	smul.u32 $0x3700, s14  }
0x9: {  	s19 =	sshll.u32 s14, $0x7;
	s21 =	sshll.u32 s14, $0x4;
	_ =	strace $0x80000047  }
0xa: {  	s0 =	sadd.s32 s8, s0;
	s6 =	ssub.s32 $0x2, s10;
	p0 =	seq.s32 s10, $0x1  }
0xb: {  	s20 =	sshll.u32 s10, $0x6;
	s10 =	sshll.u32 s10, $0xF;
	s22 =	sadd.s32 s9, s21  }
0xc: {  	s21 =	simm.s32 $0x0;
	s12 =	sshrl.u32 s6, $0x1;
	s7 =	sshrl.u32 s7, $0x2  }
0xd: {  	s8 =	sadd.s32 s15, s4;
	s16 =	sshrl.u32 s13, $0x3;
	[dreg:$0x8] =	wrdreg s22  }
0xe: {  	s0 =	sadd.s32 s10, s0;
	s22 =	simm.s32 $0x14200;
	s10 =	simm.s32 $0x5  }
0xf: {  	s12 =	ssub.s32 s6, s12;
	s6 =	sadd.s32 s7, s2;
	s18 =	sadd.s32 $0xCC00, s8  }
0x10: {  	s7 =	sadd.s32 s4, s11;
	s0 =	sadd.s32 $0x14E000, s0;
	[dreg:$0x6] =	wrdreg s18  }
0x11: {  	s4 =	sadd.s32 s4, s16;
	s26 =	sadd.s32 $0xD2C0, s8;
	[dreg:$0x9] =	wrdreg s0  }
0x12: {  	s11 =	simm.s32 $0x1C280;
	s17 =	sadd.s32 $0x20, s7;
	[dreg:$0xc] =	wrdreg s26  }
0x13: {  	s4 =	sadd.s32 $0xCC20, s4;
	s16 =	smax.u32 s12, $0x1;
	[dreg:$0x5] =	wrdreg s17  }
0x14: {  	s18 =	sadd.s32 $0x8000, s6;
	s26 =	simm.s32 $0x1;
	[dreg:$0x7] =	wrdreg s4  }
0x15: {  	s4 =	sor.u32 s20, s19;
	s17 =	sadd.s32 $0x4000, s6;
	s19 =	sadd.s32 $0xC000, s6  }
.Ltmp0:
0x16: {  	s20 =	sadd.s32 $0x10000, s6;
	s23 =	sshrl.u32 s4, $0x3;
	(pc) =	sbr.rel .LBB2_1-.Ltmp0, $4  }
0x17: {  	s25 =	sshll.u32 s4, $0x4;
	s4 =	simm.s32 $0x4;
	s24 =	sadd.s32 s9, s23  }
0x18: {  	s0 =	sadd.s32 s1, s25;
	s23 =	simm.s32 $0x6;
	s25 =	simm.s32 $0x14100  }
0x19: {  	s1 =	simm.s32 $0x14180;
	s9 =	simm.s32 $0x1C200;
	[dreg:$0xa] =	wrdreg s24  }
0x1a: {  	v0 =	vimm.f32 $0.0e+00;
	[dreg:$0xb] =	wrdreg s0;
	s24 =	simm.s32 $0x14000;
	s0 =	simm.s32 $0x14080  }
.LBB2_6:
0x1b: {  	[tilespmem:s25], [sflag:$0x2] =	stream.linear.gather [hbm4b:s13+s3], $0x100, $0x38;
	[tilespmem:$0x1C300] =	vst v63  }
0x1c: {  	_ =	swait.ge [sflag:s29], $0x4000  }
0x1d: {  	[sflag:s29] =	ssyncset.done $0x0  }
0x1e: {  	[sflag:s29] =	ssyncadd.s32 $0xFFFFC000  }
0x1f: {  	_ =	swait.ge [sflag:s30], $0x100  }
0x20: {  	[sflag:s30] =	ssyncset.done $0x0  }
0x21: {  	[sflag:s30] =	ssyncadd.s32 $0xFFFFFF00  }
0x22: {  	[tilespmem:s31], [sflag:$0x4] =	stream.indirect.gather [hbm4b:s5+s28], $0x80, s25, s28, $0xb8;
	[tilespmem:$0x1C300] =	vst v63  }
0x23: {  	_ = 	snop  }
0x24: {  	[spmem:s2] =	stream.indirect.scatter.add.f32 [tilespmem:s22], [sflag:$0x6], $0x80, s0, s28, $0xb8;
	[tilespmem:$0x1C300] =	vst v63  }
0x25: {  	_ =	swait.ge [sflag:s23], $0x4000  }
0x26: {  	[sflag:s23] =	ssyncset.done $0x0  }
0x27: {  	[sflag:s23] =	ssyncadd.s32 $0xFFFFC000  }
0x28: {  	_ =	swait.ge [sflag:s4], $0x4000  }
0x29: {  	[sflag:s4] =	ssyncset.done $0x0  }
0x2a: {  	[sflag:s4] =	ssyncadd.s32 $0xFFFFC000  }
0x2b: {  	[spmem:s2] =	stream.indirect.scatter.add.f32 [tilespmem:s31], [sflag:$0x6], $0x80, s1, s28, $0xb8;
	[tilespmem:$0x1C300] =	vst v63  }
.LBB2_10:
0x2c: {  	_ =	swait.ge [sflag:s23], $0x4000  }
0x2d: {  	[sflag:s23] =	ssyncset.done $0x0  }
0x2e: {  	[sflag:s23] =	ssyncadd.s32 $0xFFFFC000  }
0x2f: {  	[bflag:$0x0] =	sbarrier.arrive $0xFFFF  }
0x30: {  	s12 =	rddreg [dreg:$0x8]  }
0x31: {  	[tilespmem:s9], [sflag:$0x6] =	stream.linear.gather [hbm4b:s12+s3], $0x80, $0x38;
	[tilespmem:$0x1C300] =	vst v63  }
0x32: {  	_ =	swait.ge [sflag:s23], $0x80  }
0x33: {  	[sflag:s23] =	ssyncset.done $0x0  }
0x34: {  	[sflag:s23] =	ssyncadd.s32 $0xFFFFFF80  }
0x35: {  	[tilespmem:s31], [sflag:$0x5] =	stream.indirect.gather [spmem:s2], $0x80, s9, s28, $0xb8;
	[tilespmem:$0x1C300] =	vst v63  }
0x36: {  	_ =	swait.ge [sflag:s10], $0x4000  }
0x37: {  	[sflag:s10] =	ssyncset.done $0x0  }
0x38: {  	s15 =	rddreg [dreg:$0x9];
	[sflag:s10] =	ssyncadd.s32 $0xFFFFC000  }
0x39: {  	[hbm4b:s15+s3] =	stream.linear.scatter [tilespmem:s31], [sflag:$0x6], $0x4000, $0x38;
	[tilespmem:$0x1C300] =	vst v63  }
0x3a: {  	_ =	swait.ge [sflag:s23], $0x4000  }
0x3b: {  	[sflag:s23] =	ssyncset.done $0x0  }
0x3c: {  	s13 =	rddreg [dreg:$0xa];
	[sflag:s23] =	ssyncadd.s32 $0xFFFFC000  }
0x3d: {  	[tilespmem:s11], [sflag:$0x6] =	stream.linear.gather [hbm4b:s13+s3], $0x40, $0x38;
	[tilespmem:$0x1C300] =	vst v63  }
0x3e: {  	_ =	swait.ge [sflag:s23], $0x40  }
0x3f: {  	[sflag:s23] =	ssyncset.done $0x0  }
0x40: {  	[sflag:s23] =	ssyncadd.s32 $0xFFFFFFC0  }
0x41: {  	s13 =	simm.s32 $0x40;
	s14 =	rddreg [dreg:$0x1]  }
0x42: {  	[tilespmem:s22], [sflag:$0x5] =	stream.indirect.gather [hbm4b:s14+s13], $0x80, s11, s13, $0xb8;
	[tilespmem:$0x1C300] =	vst v63  }
0x43: {  	s21 =	sadd.s32 $0x1, s21;
	_ =	swait.ge [sflag:s10], $0x2000  }
0x44: {  	p1 =	sne.s32 s21, s16;
	[sflag:s10] =	ssyncset.done $0x0  }
.Ltmp1:
0x45: {  	s15 =	rddreg [dreg:$0xb];
	[sflag:s10] =	ssyncadd.s32 $0xFFFFE000;
	(pc) =	sbr.rel @!p1 .LBB2_11-.Ltmp1, $4  }
0x46: {  	[hbm4b:s15+s3] =	stream.linear.scatter [tilespmem:s22], [sflag:$0x6], $0x2000, $0x38;
	[tilespmem:$0x1C300] =	vst v63  }
0x47: {  	_ =	swait.ge [sflag:s23], $0x2000  }
0x48: {  	[sflag:s23] =	ssyncset.done $0x0  }
0x49: {  	[sflag:s23] =	ssyncadd.s32 $0xFFFFE000  }
.LBB2_1:
0x4a: {  	s12 =	sand.u32 $0xFE00, s3  }
0x4b: {  	s13 =	sand.u32 $0x70, s3;
	s14 =	sshrl.u32 s12, $0x2  }
0x4c: {  	s12 =	simm.s32 $0x40;
	s14 =	sor.u32 s13, s14;
	s13 =	simm.s32 $0x0  }
.LBB2_2:
0x4d: {  	p1 =	sne.s32 s12, $0xFFC0  }
0x4e: {  	[tilespmem:s14+$0x14200] =	vst v0;
	s13 =	sadd.s32 $0x10, s13;
	s14 =	smov.u32 s12;
	s12 =	sadd.s32 $0x40, s12  }
.Ltmp2:
0x4f: {  	(pc) =	sbr.rel @p1 .LBB2_2-.Ltmp2, $4  }
0x50: {  	_ = 	snop  }
0x51: {  	s14 =	sand.u32 $0xFE00, s14  }
0x52: {  	s15 =	sand.u32 $0x70, s13;
	s14 =	sshrl.u32 s14, $0x2  }
0x53: {  	s14 =	sor.u32 s15, s14  }
0x54: {  	[tilespmem:s14+$0x14200] =	vst v0  }
0x55: {  	[spmem:s6] =	stream.linear.scatter [tilespmem:s22], [sflag:$0x6], $0x4000, $0x38;
	[tilespmem:$0x1C300] =	vst v63  }
0x56: {  	_ =	swait.ge [sflag:s23], $0x4000  }
0x57: {  	[sflag:s23] =	ssyncset.done $0x0  }
0x58: {  	[sflag:s23] =	ssyncadd.s32 $0xFFFFC000  }
0x59: {  	[spmem:s17] =	stream.linear.scatter [tilespmem:s22], [sflag:$0x6], $0x4000, $0x38;
	[tilespmem:$0x1C300] =	vst v63  }
0x5a: {  	_ =	swait.ge [sflag:s23], $0x4000  }
0x5b: {  	[sflag:s23] =	ssyncset.done $0x0  }
0x5c: {  	[sflag:s23] =	ssyncadd.s32 $0xFFFFC000  }
0x5d: {  	[spmem:s18] =	stream.linear.scatter [tilespmem:s22], [sflag:$0x6], $0x4000, $0x38;
	[tilespmem:$0x1C300] =	vst v63  }
0x5e: {  	_ =	swait.ge [sflag:s23], $0x4000  }
0x5f: {  	[sflag:s23] =	ssyncset.done $0x0  }
0x60: {  	[sflag:s23] =	ssyncadd.s32 $0xFFFFC000  }
0x61: {  	[spmem:s19] =	stream.linear.scatter [tilespmem:s22], [sflag:$0x6], $0x4000, $0x38;
	[tilespmem:$0x1C300] =	vst v63  }
0x62: {  	_ =	swait.ge [sflag:s23], $0x4000  }
0x63: {  	[sflag:s23] =	ssyncset.done $0x0  }
0x64: {  	[sflag:s23] =	ssyncadd.s32 $0xFFFFC000  }
0x65: {  	[spmem:s20] =	stream.linear.scatter [tilespmem:s22], [sflag:$0x6], $0x4000, $0x38;
	[tilespmem:$0x1C300] =	vst v63  }
.Ltmp3:
0x66: {  	_ =	swait.ge [sflag:s23], $0x4000;
	(pc) =	sbr.rel @!p0 .LBB2_4-.Ltmp3, $3  }
0x67: {  	[sflag:s23] =	ssyncset.done $0x0  }
0x68: {  	[sflag:s23] =	ssyncadd.s32 $0xFFFFC000  }
0x69: {  	[bflag:$0x0] =	sbarrier.arrive $0xFFFF;
	_ =	sdelay $0x1  }
0x6a: {  	s12 =	rddreg [dreg:$0x6]  }
0x6b: {  	[tilespmem:s24], [sflag:$0x1] =	stream.linear.gather [hbm4b:s12+s3], $0x100, $0x38;
	[tilespmem:$0x1C300] =	vst v63  }
0x6c: {  	s14 =	rddreg [dreg:$0x7]  }
0x6d: {  	[tilespmem:s25], [sflag:$0x2] =	stream.linear.gather [hbm4b:s14+s3], $0x100, $0x38;
	[tilespmem:$0x1C300] =	vst v63  }
0x6e: {  	_ =	swait.ge [sflag:s26], $0x100  }
0x6f: {  	[sflag:s26] =	ssyncset.done $0x0  }
0x70: {  	[sflag:s26] =	ssyncadd.s32 $0xFFFFFF00  }
0x71: {  	[tilespmem:s22], [sflag:$0x3] =	stream.indirect.gather [hbm4b:s5+s28], $0x80, s24, s28, $0xb8;
	[tilespmem:$0x1C300] =	vst v63  }
0x72: {  	_ =	swait.ge [sflag:s29], $0x4000  }
0x73: {  	[sflag:s29] =	ssyncset.done $0x0  }
0x74: {  	[sflag:s29] =	ssyncadd.s32 $0xFFFFC000  }
0x75: {  	_ =	swait.ge [sflag:s30], $0x100  }
0x76: {  	[sflag:s30] =	ssyncset.done $0x0  }
0x77: {  	[sflag:s30] =	ssyncadd.s32 $0xFFFFFF00  }
0x78: {  	[tilespmem:s31], [sflag:$0x4] =	stream.indirect.gather [hbm4b:s5+s28], $0x80, s25, s28, $0xb8;
	[tilespmem:$0x1C300] =	vst v63  }
0x79: {  	_ = 	snop  }
0x7a: {  	[spmem:s2] =	stream.indirect.scatter.add.f32 [tilespmem:s22], [sflag:$0x6], $0x80, s0, s28, $0xb8;
	[tilespmem:$0x1C300] =	vst v63  }
0x7b: {  	_ =	swait.ge [sflag:s23], $0x4000  }
0x7c: {  	s13 =	sadd.s32 $0xFFFFF980, s8;
	[sflag:s23] =	ssyncset.done $0x0  }
0x7d: {  	s15 =	sadd.s32 $0xD2C0, s13;
	[sflag:s23] =	ssyncadd.s32 $0xFFFFC000  }
0x7e: {  	[tilespmem:s24], [sflag:$0x1] =	stream.linear.gather [hbm4b:s15+s3], $0x100, $0x38;
	[tilespmem:$0x1C300] =	vst v63  }
0x7f: {  	_ =	swait.ge [sflag:s4], $0x4000  }
0x80: {  	[sflag:s4] =	ssyncset.done $0x0  }
0x81: {  	[sflag:s4] =	ssyncadd.s32 $0xFFFFC000  }
0x82: {  	_ =	swait.ge [sflag:s26], $0x100  }
0x83: {  	[sflag:s26] =	ssyncset.done $0x0  }
0x84: {  	[sflag:s26] =	ssyncadd.s32 $0xFFFFFF00  }
0x85: {  	[tilespmem:s22], [sflag:$0x3] =	stream.indirect.gather [hbm4b:s5+s28], $0x80, s24, s28, $0xb8;
	[tilespmem:$0x1C300] =	vst v63  }
0x86: {  	_ = 	snop  }
0x87: {  	[spmem:s2] =	stream.indirect.scatter.add.f32 [tilespmem:s31], [sflag:$0x6], $0x80, s1, s28, $0xb8;
	[tilespmem:$0x1C300] =	vst v63  }
0x88: {  	_ =	swait.ge [sflag:s23], $0x4000  }
0x89: {  	[sflag:s23] =	ssyncset.done $0x0  }
0x8a: {  	s12 =	simm.s32 $0xFFFFF9C0;
	s13 =	sadd.s32 $0xD2E0, s13;
	[sflag:s23] =	ssyncadd.s32 $0xFFFFC000  }
.LBB2_8:
0x8b: {  	[tilespmem:s25], [sflag:$0x2] =	stream.linear.gather [hbm4b:s13+s3], $0x100, $0x38;
	[tilespmem:$0x1C300] =	vst v63  }
0x8c: {  	s13 =	smov.u32 s12  }
0x8d: {  	p1 =	sne.s32 s12, $0xFFFFFFC0;
	s12 =	sadd.s32 $0x40, s12;
	_ =	swait.ge [sflag:s29], $0x4000  }
0x8e: {  	[sflag:s29] =	ssyncset.done $0x0  }
0x8f: {  	[sflag:s29] =	ssyncadd.s32 $0xFFFFC000  }
0x90: {  	_ =	swait.ge [sflag:s30], $0x100  }
0x91: {  	[sflag:s30] =	ssyncset.done $0x0  }
0x92: {  	[sflag:s30] =	ssyncadd.s32 $0xFFFFFF00  }
0x93: {  	[tilespmem:s31], [sflag:$0x4] =	stream.indirect.gather [hbm4b:s5+s28], $0x80, s25, s28, $0xb8;
	[tilespmem:$0x1C300] =	vst v63  }
0x94: {  	_ = 	snop  }
0x95: {  	[spmem:s2] =	stream.indirect.scatter.add.f32 [tilespmem:s22], [sflag:$0x6], $0x80, s0, s28, $0xb8;
	[tilespmem:$0x1C300] =	vst v63  }
0x96: {  	_ =	swait.ge [sflag:s23], $0x4000  }
0x97: {  	s13 =	sadd.s32 s13, s8;
	[sflag:s23] =	ssyncset.done $0x0  }
0x98: {  	s14 =	sadd.s32 $0xD2C0, s13;
	[sflag:s23] =	ssyncadd.s32 $0xFFFFC000  }
0x99: {  	[tilespmem:s24], [sflag:$0x1] =	stream.linear.gather [hbm4b:s14+s3], $0x100, $0x38;
	[tilespmem:$0x1C300] =	vst v63  }
0x9a: {  	_ =	swait.ge [sflag:s4], $0x4000  }
0x9b: {  	[sflag:s4] =	ssyncset.done $0x0  }
0x9c: {  	[sflag:s4] =	ssyncadd.s32 $0xFFFFC000  }
0x9d: {  	_ =	swait.ge [sflag:s26], $0x100  }
0x9e: {  	[sflag:s26] =	ssyncset.done $0x0  }
0x9f: {  	[sflag:s26] =	ssyncadd.s32 $0xFFFFFF00  }
0xa0: {  	[tilespmem:s22], [sflag:$0x3] =	stream.indirect.gather [hbm4b:s5+s28], $0x80, s24, s28, $0xb8;
	[tilespmem:$0x1C300] =	vst v63  }
.Ltmp4:
0xa1: {  	(pc) =	sbr.rel @p1 .LBB2_8-.Ltmp4, $4  }
0xa2: {  	[spmem:s2] =	stream.indirect.scatter.add.f32 [tilespmem:s31], [sflag:$0x6], $0x80, s1, s28, $0xb8;
	[tilespmem:$0x1C300] =	vst v63  }
0xa3: {  	_ =	swait.ge [sflag:s23], $0x4000  }
0xa4: {  	[sflag:s23] =	ssyncset.done $0x0  }
0xa5: {  	s13 =	sadd.s32 $0xD2E0, s13;
	[sflag:s23] =	ssyncadd.s32 $0xFFFFC000  }
0xa6: {  	[tilespmem:s25], [sflag:$0x2] =	stream.linear.gather [hbm4b:s13+s3], $0x100, $0x38;
	[tilespmem:$0x1C300] =	vst v63  }
0xa7: {  	_ =	swait.ge [sflag:s29], $0x4000  }
0xa8: {  	[sflag:s29] =	ssyncset.done $0x0  }
0xa9: {  	[sflag:s29] =	ssyncadd.s32 $0xFFFFC000  }
0xaa: {  	_ =	swait.ge [sflag:s30], $0x100  }
0xab: {  	[sflag:s30] =	ssyncset.done $0x0  }
0xac: {  	[sflag:s30] =	ssyncadd.s32 $0xFFFFFF00  }
0xad: {  	[tilespmem:s31], [sflag:$0x4] =	stream.indirect.gather [hbm4b:s5+s28], $0x80, s25, s28, $0xb8;
	[tilespmem:$0x1C300] =	vst v63  }
0xae: {  	_ = 	snop  }
0xaf: {  	[spmem:s2] =	stream.indirect.scatter.add.f32 [tilespmem:s22], [sflag:$0x6], $0x80, s0, s28, $0xb8;
	[tilespmem:$0x1C300] =	vst v63  }
0xb0: {  	_ =	swait.ge [sflag:s23], $0x4000  }
0xb1: {  	[sflag:s23] =	ssyncset.done $0x0  }
0xb2: {  	s12 =	rddreg [dreg:$0xc];
	[sflag:s23] =	ssyncadd.s32 $0xFFFFC000  }
0xb3: {  	[tilespmem:s24], [sflag:$0x1] =	stream.linear.gather [hbm4b:s12+s3], $0x100, $0x38;
	[tilespmem:$0x1C300] =	vst v63  }
0xb4: {  	_ =	swait.ge [sflag:s4], $0x4000  }
0xb5: {  	[sflag:s4] =	ssyncset.done $0x0  }
0xb6: {  	[sflag:s4] =	ssyncadd.s32 $0xFFFFC000  }
0xb7: {  	_ =	swait.ge [sflag:s26], $0x100  }
0xb8: {  	[sflag:s26] =	ssyncset.done $0x0  }
0xb9: {  	[sflag:s26] =	ssyncadd.s32 $0xFFFFFF00  }
0xba: {  	[tilespmem:s22], [sflag:$0x3] =	stream.indirect.gather [hbm4b:s5+s28], $0x80, s24, s28, $0xb8;
	[tilespmem:$0x1C300] =	vst v63  }
0xbb: {  	_ = 	snop  }
0xbc: {  	[spmem:s2] =	stream.indirect.scatter.add.f32 [tilespmem:s31], [sflag:$0x6], $0x80, s1, s28, $0xb8;
	[tilespmem:$0x1C300] =	vst v63  }
0xbd: {  	_ =	swait.ge [sflag:s23], $0x4000  }
0xbe: {  	[sflag:s23] =	ssyncset.done $0x0  }
.Ltmp5:
0xbf: {  	[sflag:s23] =	ssyncadd.s32 $0xFFFFC000;
	(pc) =	sbr.rel .LBB2_10-.Ltmp5, $4  }
0xc0: {  	_ =	swait.ge [sflag:s29], $0x4000  }
0xc1: {  	[sflag:s29] =	ssyncset.done $0x0  }
0xc2: {  	[sflag:s29] =	ssyncadd.s32 $0xFFFFC000  }
0xc3: {  	[spmem:s2] =	stream.indirect.scatter.add.f32 [tilespmem:s22], [sflag:$0x6], $0x80, s0, s28, $0xb8;
	[tilespmem:$0x1C300] =	vst v63  }
.LBB2_4:
0xc4: {  	[tilespmem:s24], [sflag:$0x1] =	stream.linear.gather [hbm4b:s7+s3], $0x100, $0x38;
	[tilespmem:$0x1C300] =	vst v63  }
0xc5: {  	s12 =	rddreg [dreg:$0x5]  }
0xc6: {  	[tilespmem:s25], [sflag:$0x2] =	stream.linear.gather [hbm4b:s12+s3], $0x100, $0x38;
	[tilespmem:$0x1C300] =	vst v63  }
0xc7: {  	_ =	swait.ge [sflag:s26], $0x100  }
0xc8: {  	[sflag:s26] =	ssyncset.done $0x0  }
0xc9: {  	[sflag:s26] =	ssyncadd.s32 $0xFFFFFF00  }
0xca: {  	[tilespmem:s22], [sflag:$0x3] =	stream.indirect.gather [hbm4b:s5+s28], $0x80, s24, s28, $0xb8;
	[tilespmem:$0x1C300] =	vst v63  }
0xcb: {  	_ =	swait.ge [sflag:s29], $0x4000  }
0xcc: {  	[sflag:s29] =	ssyncset.done $0x0  }
0xcd: {  	[sflag:s29] =	ssyncadd.s32 $0xFFFFC000  }
0xce: {  	_ =	swait.ge [sflag:s30], $0x100  }
0xcf: {  	[sflag:s30] =	ssyncset.done $0x0  }
0xd0: {  	[sflag:s30] =	ssyncadd.s32 $0xFFFFFF00  }
0xd1: {  	[tilespmem:s31], [sflag:$0x4] =	stream.indirect.gather [hbm4b:s5+s28], $0x80, s25, s28, $0xb8;
	[tilespmem:$0x1C300] =	vst v63  }
0xd2: {  	_ = 	snop  }
0xd3: {  	[spmem:s2] =	stream.indirect.scatter.add.f32 [tilespmem:s22], [sflag:$0x6], $0x80, s0, s28, $0xb8;
	[tilespmem:$0x1C300] =	vst v63  }
0xd4: {  	_ =	swait.ge [sflag:s23], $0x4000  }
0xd5: {  	s13 =	sadd.s32 $0xFFFFF380, s7;
	[sflag:s23] =	ssyncset.done $0x0  }
0xd6: {  	s15 =	sadd.s32 $0xCC0, s13;
	[sflag:s23] =	ssyncadd.s32 $0xFFFFC000  }
0xd7: {  	[tilespmem:s24], [sflag:$0x1] =	stream.linear.gather [hbm4b:s15+s3], $0x100, $0x38;
	[tilespmem:$0x1C300] =	vst v63  }
0xd8: {  	_ =	swait.ge [sflag:s4], $0x4000  }
0xd9: {  	[sflag:s4] =	ssyncset.done $0x0  }
0xda: {  	[sflag:s4] =	ssyncadd.s32 $0xFFFFC000  }
0xdb: {  	_ =	swait.ge [sflag:s26], $0x100  }
0xdc: {  	[sflag:s26] =	ssyncset.done $0x0  }
0xdd: {  	[sflag:s26] =	ssyncadd.s32 $0xFFFFFF00  }
0xde: {  	[tilespmem:s22], [sflag:$0x3] =	stream.indirect.gather [hbm4b:s5+s28], $0x80, s24, s28, $0xb8;
	[tilespmem:$0x1C300] =	vst v63  }
0xdf: {  	_ = 	snop  }
0xe0: {  	[spmem:s2] =	stream.indirect.scatter.add.f32 [tilespmem:s31], [sflag:$0x6], $0x80, s1, s28, $0xb8;
	[tilespmem:$0x1C300] =	vst v63  }
0xe1: {  	_ =	swait.ge [sflag:s23], $0x4000  }
0xe2: {  	[sflag:s23] =	ssyncset.done $0x0  }
0xe3: {  	s13 =	sadd.s32 $0xCE0, s13;
	s12 =	simm.s32 $0xFFFFF3C0;
	[sflag:s23] =	ssyncadd.s32 $0xFFFFC000  }
.LBB2_5:
0xe4: {  	[tilespmem:s25], [sflag:$0x2] =	stream.linear.gather [hbm4b:s13+s3], $0x100, $0x38;
	[tilespmem:$0x1C300] =	vst v63  }
0xe5: {  	s13 =	smov.u32 s12  }
0xe6: {  	p1 =	seq.s32 s12, $0xFFFFFFC0;
	s12 =	sadd.s32 $0x40, s12;
	_ =	swait.ge [sflag:s29], $0x4000  }
0xe7: {  	[sflag:s29] =	ssyncset.done $0x0  }
0xe8: {  	[sflag:s29] =	ssyncadd.s32 $0xFFFFC000  }
0xe9: {  	_ =	swait.ge [sflag:s30], $0x100  }
0xea: {  	[sflag:s30] =	ssyncset.done $0x0  }
0xeb: {  	[sflag:s30] =	ssyncadd.s32 $0xFFFFFF00  }
0xec: {  	[tilespmem:s31], [sflag:$0x4] =	stream.indirect.gather [hbm4b:s5+s28], $0x80, s25, s28, $0xb8;
	[tilespmem:$0x1C300] =	vst v63  }
0xed: {  	_ = 	snop  }
0xee: {  	[spmem:s2] =	stream.indirect.scatter.add.f32 [tilespmem:s22], [sflag:$0x6], $0x80, s0, s28, $0xb8;
	[tilespmem:$0x1C300] =	vst v63  }
0xef: {  	_ =	swait.ge [sflag:s23], $0x4000  }
0xf0: {  	s13 =	sadd.s32 s13, s7;
	[sflag:s23] =	ssyncset.done $0x0  }
0xf1: {  	s14 =	sadd.s32 $0xCC0, s13;
	[sflag:s23] =	ssyncadd.s32 $0xFFFFC000  }
0xf2: {  	[tilespmem:s24], [sflag:$0x1] =	stream.linear.gather [hbm4b:s14+s3], $0x100, $0x38;
	[tilespmem:$0x1C300] =	vst v63  }
0xf3: {  	_ =	swait.ge [sflag:s4], $0x4000  }
0xf4: {  	[sflag:s4] =	ssyncset.done $0x0  }
0xf5: {  	[sflag:s4] =	ssyncadd.s32 $0xFFFFC000  }
0xf6: {  	_ =	swait.ge [sflag:s26], $0x100  }
0xf7: {  	[sflag:s26] =	ssyncset.done $0x0  }
0xf8: {  	[sflag:s26] =	ssyncadd.s32 $0xFFFFFF00  }
0xf9: {  	[tilespmem:s22], [sflag:$0x3] =	stream.indirect.gather [hbm4b:s5+s28], $0x80, s24, s28, $0xb8;
	[tilespmem:$0x1C300] =	vst v63  }
.Ltmp6:
0xfa: {  	(pc) =	sbr.rel @!p1 .LBB2_5-.Ltmp6, $4  }
0xfb: {  	[spmem:s2] =	stream.indirect.scatter.add.f32 [tilespmem:s31], [sflag:$0x6], $0x80, s1, s28, $0xb8;
	[tilespmem:$0x1C300] =	vst v63  }
0xfc: {  	_ =	swait.ge [sflag:s23], $0x4000  }
0xfd: {  	[sflag:s23] =	ssyncset.done $0x0  }
0xfe: {  	s13 =	sadd.s32 $0xCE0, s13;
	[sflag:s23] =	ssyncadd.s32 $0xFFFFC000  }
.Ltmp7:
0xff: {  	_ = 	snop;
	(pc) =	sbr.rel .LBB2_6-.Ltmp7, $1  }
0x100: {  	_ =	sdelay $0x3  }
.LBB2_11:
0x101: {  	_ =	sfence.sel $0x180000  }
0x102: {  	[bflag:$0x0] =	sbarrier.arrive $0xFFFF  }
0x103: {  	_ =	strace $0x90000047  }
0x104: {  	s0 =	stileid.u32;
	[bflag:$0x2] =	sbarrier.arrive $0xFFFF  }
0x105: {  	p0 =	sne.s32 s0, $0x0;
	s0 =	rddreg [dreg:$0x4]  }
0x106: {  	s0 =	sadd.s32 @!p0 $0x100000, s0  }
0x107: {  	[sflag:s0] =	ssyncadd.tile.s32 @!p0 $0x1;
	_ =	shalt  }
.Lfunc_end2:
_tile_overlayer_lowered:
.L_overlay_start_2:
0x108: {  	(tag) =	ssettag $0x2  }
0x109: {  	s0 =	rddreg [dreg:$0x0];
	s2 =	stileid.u32  }
0x10a: {  	s1 =	rddreg [dreg:$0x1];
	p0 =	sne.s32 s2, $0x0  }
0x10b: {  	s3 =	rddreg [dreg:$0x2];
	[bflag:$0x3] =	sbarrier.arrive $0xFFFF;
	s2 =	simm.s32 @!p0 $0x1C06  }
0x10c: {  	[timem:s3], [sflag:s2] =	dma.local @!p0 [hbm:s0], s1  }
0x10d: {  	s0 =	simm.s32 @!p0 $0x6  }
0x10e: {  	_ =	swait.ge @!p0 [sflag:s0], s1  }
0x10f: {  	s1 =	ssub.s32 @!p0 $0x0, s1;
	[sflag:s0] =	ssyncset.done @!p0 $0x0  }
0x110: {  	[sflag:s0] =	ssyncadd.s32 @!p0 s1  }
0x111: {  	[bflag:$0x3] =	sbarrier.arrive $0xFFFF  }
0x112: {  	_ =	shalt  }

</sc_bundles>
